<compile_context>
chip_gen: v7x
topology: tpu7x:2x2x1
jax: 0.10.2.dev20260603
libtpu: 0.0.44.dev20260713+nightly
codegen_flags: <defaults>
</compile_context>

<pallas_src>
import jax
import jax.numpy as jnp
from jax import lax
from jax.experimental import pallas as pl
from jax.experimental.pallas import tpu as pltpu
from jax.experimental.pallas import tpu_sc as plsc

_HEADS = 16
_VOCAB = 32
_NC, _NS = 2, 16
_NW = _NC * _NS
_CHUNK = 2048
_LANES = 16
_UNROLL = 4


def _make_lookup(n_idx):
  assert n_idx % (_NW * _CHUNK) == 0
  per_w = n_idx // _NW
  n_chunks = per_w // _CHUNK
  assert n_chunks % 2 == 0

  def body(table_hbm, idx_hbm, out_hbm, table_v, idx_v, rows_v,
           sem_i0, sem_i1, sem_o0, sem_o1):
    c = lax.axis_index("c")
    s = lax.axis_index("s")
    w = s * _NC + c
    idx0 = w * per_w

    sems_i = (sem_i0, sem_i1)
    sems_o = (sem_o0, sem_o1)

    def in_copy(g, b):
      return pltpu.make_async_copy(
          idx_hbm.at[pl.ds(idx0 + g * _CHUNK, _CHUNK)], idx_v.at[b],
          sems_i[b])

    def out_copy(g, b):
      return pltpu.make_async_copy(
          rows_v.at[b],
          out_hbm.at[pl.ds((idx0 + g * _CHUNK) * _HEADS, _CHUNK * _HEADS)],
          sems_o[b])

    pltpu.sync_copy(table_hbm, table_v)
    in_copy(0, 0).start()

    @pl.loop(0, n_chunks, step=2)
    def _pair(g0):
      for b in range(2):
        g = g0 + b

        @pl.when(g + 1 < n_chunks)
        def _prefetch():
          in_copy(g + 1, 1 - b).start()

        in_copy(g, b).wait()

        @pl.when(g >= 2)
        def _drain():
          out_copy(g - 2, b).wait()

        idx_vb = idx_v.at[b]
        rows_vb = rows_v.at[b]

        lanes = jnp.arange(_LANES, dtype=jnp.int32)

        @plsc.parallel_loop(0, _CHUNK // _LANES, unroll=_UNROLL)
        def _grp(j):
          base = j * _LANES
          iv = idx_vb[pl.ds(base, _LANES)] * _HEADS
          dstb = (lanes + base) * _HEADS
          for k in range(_HEADS):
            h = (lanes + k) & (_HEADS - 1)
            vals = plsc.load_gather(table_v, [iv + h])
            plsc.store_scatter(rows_vb, [dstb + h], vals)

        out_copy(g, b).start()

    out_copy(n_chunks - 2, 0).wait()
    out_copy(n_chunks - 1, 1).wait()

  return pl.kernel(
      body,
      out_type=jax.ShapeDtypeStruct((n_idx * _HEADS,), jnp.float32),
      mesh=plsc.VectorSubcoreMesh(core_axis_name="c", subcore_axis_name="s",
                                  num_cores=_NC, num_subcores=_NS),
      scratch_types=[
          pltpu.VMEM((_VOCAB * _HEADS,), jnp.float32),
          pltpu.VMEM((2, _CHUNK), jnp.int32),
          pltpu.VMEM((2, _CHUNK * _HEADS), jnp.float32),
          pltpu.SemaphoreType.DMA,
          pltpu.SemaphoreType.DMA,
          pltpu.SemaphoreType.DMA,
          pltpu.SemaphoreType.DMA,
      ],
      compiler_params=pltpu.CompilerParams(use_tc_tiling_on_sc=False,
                                           needs_layout_passes=False),
  )


def kernel(edge_rel_pos, table):
  shape = edge_rel_pos.shape
  n_idx = edge_rel_pos.size
  idx = edge_rel_pos.reshape(n_idx).astype(jnp.int32)
  table_f = table.astype(jnp.float32).reshape(_VOCAB * _HEADS)
  out = _make_lookup(n_idx)(table_f, idx)
  return out.reshape(shape + (_HEADS,))

# --- scband reference (transcript-rebuilt; emitter-appended) ---
"""Pipeline reference for scband-relative-position-encoder-28269474742861 (READ-ONLY COPY).

The authoritative reference and input builder live on the scoring server;
editing this copy changes nothing except your own understanding.
"""

import jax, jax.numpy as jnp
import numpy as np

NUM_BUCKETS = 32
HEADS = 16

def setup_inputs(seed: int = 0) -> dict:
    key = jax.random.key(seed)
    k1, k2 = jax.random.split(key)
    edge_rel_pos = jax.random.randint(k1, (1, 2048, 2048), 0, NUM_BUCKETS, dtype=jnp.int64 if jax.config.read('jax_enable_x64') else jnp.int32)
    table = jax.random.normal(k2, (NUM_BUCKETS, HEADS), dtype=jnp.float32)
    return {"edge_rel_pos": edge_rel_pos, "table": table}

def reference(edge_rel_pos, table):
    # nn.Embedding lookup: out[i, j, k, :] = table[edge_rel_pos[i, j, k], :]
    return jnp.take(table, edge_rel_pos, axis=0)

if __name__ == "__main__":
    import jax
    _d = setup_inputs()
    print(jax.jit(kernel)(*tuple(_d.values())))

</pallas_src>

<mosaic_0001>
#map = affine_map<(d0, d1) -> (0)>
module attributes {stable_mosaic.version = 14 : i64} {
  func.func @body(%arg0: i32, %arg1: i32, %arg2: memref<512xf32, #tpu.memory_space<hbm>>, %arg3: memref<4194304xi32, #tpu.memory_space<hbm>>, %arg4: memref<67108864xf32, #tpu.memory_space<hbm>>, %arg5: memref<512xf32, #tpu.memory_space<vmem>>, %arg6: memref<2x2048xi32, #tpu.memory_space<vmem>>, %arg7: memref<2x32768xf32, #tpu.memory_space<vmem>>, %arg8: memref<!tpu.dma_semaphore, #tpu.memory_space<semaphore_mem>>, %arg9: memref<!tpu.dma_semaphore, #tpu.memory_space<semaphore_mem>>, %arg10: memref<!tpu.dma_semaphore, #tpu.memory_space<semaphore_mem>>, %arg11: memref<!tpu.dma_semaphore, #tpu.memory_space<semaphore_mem>>) attributes {dimension_semantics = [#tpu.dimension_semantics<core_parallel>, #tpu.dimension_semantics<subcore_parallel>], iteration_bounds = array<i64: 2, 16>, scalar_prefetch = 0 : i64, scratch_operands = 7 : i64, tpu.core_type = #tpu.core_type<sc_vector_subcore>, window_params = [{transform_indices = #map}, {transform_indices = #map}, {transform_indices = #map}]} {
    %mul3A = arith.constant 2 : i32
    %mul3A_0 = arith.muli %arg1, %mul3A : i32
    %add3A = arith.addi %mul3A_0, %arg0 : i32
    %mul3A_1 = arith.constant 131072 : i32
    %mul3A_2 = arith.muli %add3A, %mul3A_1 : i32
    "tpu.region"() ({
      %run_scoped3A = tpu.sem_alloc : memref<!tpu.dma_semaphore, #tpu.memory_space<semaphore_mem>>
      tpu.enqueue_dma source(%arg2 : memref<512xf32, #tpu.memory_space<hbm>>) target(%arg5 : memref<512xf32, #tpu.memory_space<vmem>>) target_semaphore(%run_scoped3A : memref<!tpu.dma_semaphore, #tpu.memory_space<semaphore_mem>>)
      tpu.wait_dma2 semaphore(%run_scoped3A : memref<!tpu.dma_semaphore, #tpu.memory_space<semaphore_mem>>) src(%arg2 : memref<512xf32, #tpu.memory_space<hbm>>) dst(%arg5 : memref<512xf32, #tpu.memory_space<vmem>>)
      tpu.yield
    }) : () -> ()
    %add3A_3 = arith.constant 0 : i32
    %add3A_4 = arith.addi %mul3A_2, %add3A_3 : i32
    %dma_start3A = arith.constant 0 : i32
    %dma_start3A_5 = arith.constant 0 : i32
    %dma_start3A_6 = tpu.memref_slice %arg6[%dma_start3A, %dma_start3A_5] : memref<2x2048xi32, #tpu.memory_space<vmem>> -> memref<1x2048xi32, #tpu.memory_space<vmem>>
    %dma_start3A_7 = tpu.memref_squeeze %dma_start3A_6 : memref<1x2048xi32, #tpu.memory_space<vmem>> -> memref<2048xi32, #tpu.memory_space<vmem>>
    %dma_start3A_8 = tpu.memref_slice %arg3[%add3A_4] : memref<4194304xi32, #tpu.memory_space<hbm>> -> memref<2048xi32, #tpu.memory_space<hbm>>
    %dma_start3A_9 = arith.constant 0 : i32
    %dma_start3A_10 = tpu.memref_slice %arg6[%dma_start3A, %dma_start3A_9] : memref<2x2048xi32, #tpu.memory_space<vmem>> -> memref<1x2048xi32, #tpu.memory_space<vmem>>
    %dma_start3A_11 = tpu.memref_squeeze %dma_start3A_10 : memref<1x2048xi32, #tpu.memory_space<vmem>> -> memref<2048xi32, #tpu.memory_space<vmem>>
    %dma_start3A_12 = tpu.memref_slice %arg3[%add3A_4] : memref<4194304xi32, #tpu.memory_space<hbm>> -> memref<2048xi32, #tpu.memory_space<hbm>>
    tpu.enqueue_dma source(%dma_start3A_12 : memref<2048xi32, #tpu.memory_space<hbm>>) target(%dma_start3A_11 : memref<2048xi32, #tpu.memory_space<vmem>>) target_semaphore(%arg8 : memref<!tpu.dma_semaphore, #tpu.memory_space<semaphore_mem>>)
    %scan3A = arith.constant 0 : i32
    %scan3A_13 = arith.constant 32 : i32
    %scan3A_14 = arith.addi %scan3A, %scan3A_13 : i32
    %scan3A_15 = arith.constant 1 : i32
    scf.for %scan3A_42 = %scan3A to %scan3A_14 step %scan3A_15  : i32 {
      %mul3A_43 = arith.constant 2 : i32
      %mul3A_44 = arith.muli %scan3A_42, %mul3A_43 : i32
      %add3A_45 = arith.constant 0 : i32
      %add3A_46 = arith.addi %add3A_45, %mul3A_44 : i32
      %add3A_47 = arith.constant 0 : i32
      %add3A_48 = arith.addi %add3A_46, %add3A_47 : i32
      %add3A_49 = arith.constant 1 : i32
      %add3A_50 = arith.addi %add3A_48, %add3A_49 : i32
      %lt3A = arith.constant 64 : i32
      %lt3A_51 = arith.cmpi slt, %add3A_50, %lt3A : i32
      %convert_element_type3A = arith.extui %lt3A_51 : i1 to i32
      %cond3A = arith.constant 0 : i32
      %cond3A_52 = arith.cmpi ne, %convert_element_type3A, %cond3A : i32
      scf.if %cond3A_52 {
        %add3A_133 = arith.constant 1 : i32
        %add3A_134 = arith.addi %add3A_48, %add3A_133 : i32
        %mul3A_135 = arith.constant 2048 : i32
        %mul3A_136 = arith.muli %add3A_134, %mul3A_135 : i32
        %add3A_137 = arith.addi %mul3A_2, %mul3A_136 : i32
        %dma_start3A_138 = arith.constant 1 : i32
        %dma_start3A_139 = arith.constant 0 : i32
        %dma_start3A_140 = tpu.memref_slice %arg6[%dma_start3A_138, %dma_start3A_139] : memref<2x2048xi32, #tpu.memory_space<vmem>> -> memref<1x2048xi32, #tpu.memory_space<vmem>>
        %dma_start3A_141 = tpu.memref_squeeze %dma_start3A_140 : memref<1x2048xi32, #tpu.memory_space<vmem>> -> memref<2048xi32, #tpu.memory_space<vmem>>
        %dma_start3A_142 = tpu.memref_slice %arg3[%add3A_137] : memref<4194304xi32, #tpu.memory_space<hbm>> -> memref<2048xi32, #tpu.memory_space<hbm>>
        %dma_start3A_143 = arith.constant 0 : i32
        %dma_start3A_144 = tpu.memref_slice %arg6[%dma_start3A_138, %dma_start3A_143] : memref<2x2048xi32, #tpu.memory_space<vmem>> -> memref<1x2048xi32, #tpu.memory_space<vmem>>
        %dma_start3A_145 = tpu.memref_squeeze %dma_start3A_144 : memref<1x2048xi32, #tpu.memory_space<vmem>> -> memref<2048xi32, #tpu.memory_space<vmem>>
        %dma_start3A_146 = tpu.memref_slice %arg3[%add3A_137] : memref<4194304xi32, #tpu.memory_space<hbm>> -> memref<2048xi32, #tpu.memory_space<hbm>>
        tpu.enqueue_dma source(%dma_start3A_146 : memref<2048xi32, #tpu.memory_space<hbm>>) target(%dma_start3A_145 : memref<2048xi32, #tpu.memory_space<vmem>>) target_semaphore(%arg9 : memref<!tpu.dma_semaphore, #tpu.memory_space<semaphore_mem>>)
      } else {
      }
      %mul3A_53 = arith.constant 2048 : i32
      %mul3A_54 = arith.muli %add3A_48, %mul3A_53 : i32
      %add3A_55 = arith.addi %mul3A_2, %mul3A_54 : i32
      %dma_wait3A_56 = arith.constant 0 : i32
      %dma_wait3A_57 = arith.constant 0 : i32
      %dma_wait3A_58 = tpu.memref_slice %arg6[%dma_wait3A_56, %dma_wait3A_57] : memref<2x2048xi32, #tpu.memory_space<vmem>> -> memref<1x2048xi32, #tpu.memory_space<vmem>>
      %dma_wait3A_59 = tpu.memref_squeeze %dma_wait3A_58 : memref<1x2048xi32, #tpu.memory_space<vmem>> -> memref<2048xi32, #tpu.memory_space<vmem>>
      %dma_wait3A_60 = tpu.memref_slice %arg3[%add3A_55] : memref<4194304xi32, #tpu.memory_space<hbm>> -> memref<2048xi32, #tpu.memory_space<hbm>>
      %dma_wait3A_61 = arith.constant 0 : i32
      %dma_wait3A_62 = tpu.memref_slice %arg6[%dma_wait3A_56, %dma_wait3A_61] : memref<2x2048xi32, #tpu.memory_space<vmem>> -> memref<1x2048xi32, #tpu.memory_space<vmem>>
      %dma_wait3A_63 = tpu.memref_squeeze %dma_wait3A_62 : memref<1x2048xi32, #tpu.memory_space<vmem>> -> memref<2048xi32, #tpu.memory_space<vmem>>
      %dma_wait3A_64 = tpu.memref_slice %arg3[%add3A_55] : memref<4194304xi32, #tpu.memory_space<hbm>> -> memref<2048xi32, #tpu.memory_space<hbm>>
      tpu.wait_dma2 semaphore(%arg8 : memref<!tpu.dma_semaphore, #tpu.memory_space<semaphore_mem>>) src(%dma_wait3A_64 : memref<2048xi32, #tpu.memory_space<hbm>>) dst(%dma_wait3A_63 : memref<2048xi32, #tpu.memory_space<vmem>>)
      %ge3A = arith.constant 2 : i32
      %ge3A_65 = arith.cmpi sge, %add3A_48, %ge3A : i32
      %convert_element_type3A_66 = arith.extui %ge3A_65 : i1 to i32
      %cond3A_67 = arith.constant 0 : i32
      %cond3A_68 = arith.cmpi ne, %convert_element_type3A_66, %cond3A_67 : i32
      scf.if %cond3A_68 {
        %sub3A = arith.constant 2 : i32
        %sub3A_133 = arith.subi %add3A_48, %sub3A : i32
        %mul3A_134 = arith.constant 2048 : i32
        %mul3A_135 = arith.muli %sub3A_133, %mul3A_134 : i32
        %add3A_136 = arith.addi %mul3A_2, %mul3A_135 : i32
        %mul3A_137 = arith.constant 16 : i32
        %mul3A_138 = arith.muli %add3A_136, %mul3A_137 : i32
        %dma_wait3A_139 = arith.constant 0 : i32
        %dma_wait3A_140 = arith.constant 0 : i32
        %dma_wait3A_141 = tpu.memref_slice %arg7[%dma_wait3A_139, %dma_wait3A_140] : memref<2x32768xf32, #tpu.memory_space<vmem>> -> memref<1x32768xf32, #tpu.memory_space<vmem>>
        %dma_wait3A_142 = tpu.memref_squeeze %dma_wait3A_141 : memref<1x32768xf32, #tpu.memory_space<vmem>> -> memref<32768xf32, #tpu.memory_space<vmem>>
        %dma_wait3A_143 = tpu.memref_slice %arg4[%mul3A_138] : memref<67108864xf32, #tpu.memory_space<hbm>> -> memref<32768xf32, #tpu.memory_space<hbm>>
        %dma_wait3A_144 = tpu.memref_slice %arg4[%mul3A_138] : memref<67108864xf32, #tpu.memory_space<hbm>> -> memref<32768xf32, #tpu.memory_space<hbm>>
        %dma_wait3A_145 = arith.constant 0 : i32
        %dma_wait3A_146 = tpu.memref_slice %arg7[%dma_wait3A_139, %dma_wait3A_145] : memref<2x32768xf32, #tpu.memory_space<vmem>> -> memref<1x32768xf32, #tpu.memory_space<vmem>>
        %dma_wait3A_147 = tpu.memref_squeeze %dma_wait3A_146 : memref<1x32768xf32, #tpu.memory_space<vmem>> -> memref<32768xf32, #tpu.memory_space<vmem>>
        tpu.wait_dma2 semaphore(%arg10 : memref<!tpu.dma_semaphore, #tpu.memory_space<semaphore_mem>>) src(%dma_wait3A_147 : memref<32768xf32, #tpu.memory_space<vmem>>) dst(%dma_wait3A_144 : memref<32768xf32, #tpu.memory_space<hbm>>)
      } else {
      }
      %iota3A = tpu.iota {dimensions = array<i32: 0>} : vector<16xi32>
      %parallel_loop3A = arith.constant 0 : i32
      %parallel_loop3A_69 = arith.constant 128 : i32
      %parallel_loop3A_70 = arith.constant 1 : i32
      %parallel_loop3A_71 = arith.constant 0 : i32
      %parallel_loop3A_72 = arith.constant 0 : i32
      scf.for %parallel_loop3A_133 = %parallel_loop3A to %parallel_loop3A_69 step %parallel_loop3A_70  : i32 {
        %parallel_loop3A_134 = arith.constant 16 : i32
        %parallel_loop3A_135 = arith.muli %parallel_loop3A_133, %parallel_loop3A_134 : i32
        %parallel_loop3A_136 = arith.constant 0 : i32
        %parallel_loop3A_137 = tpu.memref_slice %arg6[%parallel_loop3A_71, %parallel_loop3A_136] : memref<2x2048xi32, #tpu.memory_space<vmem>> -> memref<1x2048xi32, #tpu.memory_space<vmem>>
        %parallel_loop3A_138 = tpu.memref_squeeze %parallel_loop3A_137 : memref<1x2048xi32, #tpu.memory_space<vmem>> -> memref<2048xi32, #tpu.memory_space<vmem>>
        %parallel_loop3A_139 = arith.index_cast %parallel_loop3A_135 : i32 to index
        %parallel_loop3A_140 = tpu.vector_load %parallel_loop3A_138[%parallel_loop3A_139] {strides = array<i32>} : memref<2048xi32, #tpu.memory_space<vmem>>, vector<16xi32>,
        %parallel_loop3A_141 = arith.constant 16 : i32
        %parallel_loop3A_142 = vector.broadcast %parallel_loop3A_141 : i32 to vector<16xi32>
        %parallel_loop3A_143 = arith.muli %parallel_loop3A_140, %parallel_loop3A_142 : vector<16xi32>
        %parallel_loop3A_144 = vector.broadcast %parallel_loop3A_135 : i32 to vector<16xi32>
        %parallel_loop3A_145 = arith.addi %iota3A, %parallel_loop3A_144 : vector<16xi32>
        %parallel_loop3A_146 = arith.constant 16 : i32
        %parallel_loop3A_147 = vector.broadcast %parallel_loop3A_146 : i32 to vector<16xi32>
        %parallel_loop3A_148 = arith.muli %parallel_loop3A_145, %parallel_loop3A_147 : vector<16xi32>
        %parallel_loop3A_149 = arith.constant 0 : i32
        %parallel_loop3A_150 = vector.broadcast %parallel_loop3A_149 : i32 to vector<16xi32>
        %parallel_loop3A_151 = arith.addi %iota3A, %parallel_loop3A_150 : vector<16xi32>
        %parallel_loop3A_152 = arith.constant 15 : i32
        %parallel_loop3A_153 = vector.broadcast %parallel_loop3A_152 : i32 to vector<16xi32>
        %parallel_loop3A_154 = arith.andi %parallel_loop3A_151, %parallel_loop3A_153 : vector<16xi32>
        %parallel_loop3A_155 = arith.addi %parallel_loop3A_143, %parallel_loop3A_154 : vector<16xi32>
        %parallel_loop3A_156 = tpu.vector_load_idx %arg5[%parallel_loop3A_155] : memref<512xf32, #tpu.memory_space<vmem>>[vector<16xi32>], vector<16xf32>,
        %parallel_loop3A_157 = arith.addi %parallel_loop3A_148, %parallel_loop3A_154 : vector<16xi32>
        %parallel_loop3A_158 = arith.constant 0 : i32
        %parallel_loop3A_159 = tpu.memref_slice %arg7[%parallel_loop3A_72, %parallel_loop3A_158] : memref<2x32768xf32, #tpu.memory_space<vmem>> -> memref<1x32768xf32, #tpu.memory_space<vmem>>
        %parallel_loop3A_160 = tpu.memref_squeeze %parallel_loop3A_159 : memref<1x32768xf32, #tpu.memory_space<vmem>> -> memref<32768xf32, #tpu.memory_space<vmem>>
        tpu.vector_store_idx %parallel_loop3A_160[%parallel_loop3A_157], %parallel_loop3A_156 : memref<32768xf32, #tpu.memory_space<vmem>>[vector<16xi32>], vector<16xf32>,
        %parallel_loop3A_161 = arith.constant 1 : i32
        %parallel_loop3A_162 = vector.broadcast %parallel_loop3A_161 : i32 to vector<16xi32>
        %parallel_loop3A_163 = arith.addi %iota3A, %parallel_loop3A_162 : vector<16xi32>
        %parallel_loop3A_164 = arith.constant 15 : i32
        %parallel_loop3A_165 = vector.broadcast %parallel_loop3A_164 : i32 to vector<16xi32>
        %parallel_loop3A_166 = arith.andi %parallel_loop3A_163, %parallel_loop3A_165 : vector<16xi32>
        %parallel_loop3A_167 = arith.addi %parallel_loop3A_143, %parallel_loop3A_166 : vector<16xi32>
        %parallel_loop3A_168 = tpu.vector_load_idx %arg5[%parallel_loop3A_167] : memref<512xf32, #tpu.memory_space<vmem>>[vector<16xi32>], vector<16xf32>,
        %parallel_loop3A_169 = arith.addi %parallel_loop3A_148, %parallel_loop3A_166 : vector<16xi32>
        %parallel_loop3A_170 = arith.constant 0 : i32
        %parallel_loop3A_171 = tpu.memref_slice %arg7[%parallel_loop3A_72, %parallel_loop3A_170] : memref<2x32768xf32, #tpu.memory_space<vmem>> -> memref<1x32768xf32, #tpu.memory_space<vmem>>
        %parallel_loop3A_172 = tpu.memref_squeeze %parallel_loop3A_171 : memref<1x32768xf32, #tpu.memory_space<vmem>> -> memref<32768xf32, #tpu.memory_space<vmem>>
        tpu.vector_store_idx %parallel_loop3A_172[%parallel_loop3A_169], %parallel_loop3A_168 : memref<32768xf32, #tpu.memory_space<vmem>>[vector<16xi32>], vector<16xf32>,
        %parallel_loop3A_173 = arith.constant 2 : i32
        %parallel_loop3A_174 = vector.broadcast %parallel_loop3A_173 : i32 to vector<16xi32>
        %parallel_loop3A_175 = arith.addi %iota3A, %parallel_loop3A_174 : vector<16xi32>
        %parallel_loop3A_176 = arith.constant 15 : i32
        %parallel_loop3A_177 = vector.broadcast %parallel_loop3A_176 : i32 to vector<16xi32>
        %parallel_loop3A_178 = arith.andi %parallel_loop3A_175, %parallel_loop3A_177 : vector<16xi32>
        %parallel_loop3A_179 = arith.addi %parallel_loop3A_143, %parallel_loop3A_178 : vector<16xi32>
        %parallel_loop3A_180 = tpu.vector_load_idx %arg5[%parallel_loop3A_179] : memref<512xf32, #tpu.memory_space<vmem>>[vector<16xi32>], vector<16xf32>,
        %parallel_loop3A_181 = arith.addi %parallel_loop3A_148, %parallel_loop3A_178 : vector<16xi32>
        %parallel_loop3A_182 = arith.constant 0 : i32
        %parallel_loop3A_183 = tpu.memref_slice %arg7[%parallel_loop3A_72, %parallel_loop3A_182] : memref<2x32768xf32, #tpu.memory_space<vmem>> -> memref<1x32768xf32, #tpu.memory_space<vmem>>
        %parallel_loop3A_184 = tpu.memref_squeeze %parallel_loop3A_183 : memref<1x32768xf32, #tpu.memory_space<vmem>> -> memref<32768xf32, #tpu.memory_space<vmem>>
        tpu.vector_store_idx %parallel_loop3A_184[%parallel_loop3A_181], %parallel_loop3A_180 : memref<32768xf32, #tpu.memory_space<vmem>>[vector<16xi32>], vector<16xf32>,
        %parallel_loop3A_185 = arith.constant 3 : i32
        %parallel_loop3A_186 = vector.broadcast %parallel_loop3A_185 : i32 to vector<16xi32>
        %parallel_loop3A_187 = arith.addi %iota3A, %parallel_loop3A_186 : vector<16xi32>
        %parallel_loop3A_188 = arith.constant 15 : i32
        %parallel_loop3A_189 = vector.broadcast %parallel_loop3A_188 : i32 to vector<16xi32>
        %parallel_loop3A_190 = arith.andi %parallel_loop3A_187, %parallel_loop3A_189 : vector<16xi32>
        %parallel_loop3A_191 = arith.addi %parallel_loop3A_143, %parallel_loop3A_190 : vector<16xi32>
        %parallel_loop3A_192 = tpu.vector_load_idx %arg5[%parallel_loop3A_191] : memref<512xf32, #tpu.memory_space<vmem>>[vector<16xi32>], vector<16xf32>,
        %parallel_loop3A_193 = arith.addi %parallel_loop3A_148, %parallel_loop3A_190 : vector<16xi32>
        %parallel_loop3A_194 = arith.constant 0 : i32
        %parallel_loop3A_195 = tpu.memref_slice %arg7[%parallel_loop3A_72, %parallel_loop3A_194] : memref<2x32768xf32, #tpu.memory_space<vmem>> -> memref<1x32768xf32, #tpu.memory_space<vmem>>
        %parallel_loop3A_196 = tpu.memref_squeeze %parallel_loop3A_195 : memref<1x32768xf32, #tpu.memory_space<vmem>> -> memref<32768xf32, #tpu.memory_space<vmem>>
        tpu.vector_store_idx %parallel_loop3A_196[%parallel_loop3A_193], %parallel_loop3A_192 : memref<32768xf32, #tpu.memory_space<vmem>>[vector<16xi32>], vector<16xf32>,
        %parallel_loop3A_197 = arith.constant 4 : i32
        %parallel_loop3A_198 = vector.broadcast %parallel_loop3A_197 : i32 to vector<16xi32>
        %parallel_loop3A_199 = arith.addi %iota3A, %parallel_loop3A_198 : vector<16xi32>
        %parallel_loop3A_200 = arith.constant 15 : i32
        %parallel_loop3A_201 = vector.broadcast %parallel_loop3A_200 : i32 to vector<16xi32>
        %parallel_loop3A_202 = arith.andi %parallel_loop3A_199, %parallel_loop3A_201 : vector<16xi32>
        %parallel_loop3A_203 = arith.addi %parallel_loop3A_143, %parallel_loop3A_202 : vector<16xi32>
        %parallel_loop3A_204 = tpu.vector_load_idx %arg5[%parallel_loop3A_203] : memref<512xf32, #tpu.memory_space<vmem>>[vector<16xi32>], vector<16xf32>,
        %parallel_loop3A_205 = arith.addi %parallel_loop3A_148, %parallel_loop3A_202 : vector<16xi32>
        %parallel_loop3A_206 = arith.constant 0 : i32
        %parallel_loop3A_207 = tpu.memref_slice %arg7[%parallel_loop3A_72, %parallel_loop3A_206] : memref<2x32768xf32, #tpu.memory_space<vmem>> -> memref<1x32768xf32, #tpu.memory_space<vmem>>
        %parallel_loop3A_208 = tpu.memref_squeeze %parallel_loop3A_207 : memref<1x32768xf32, #tpu.memory_space<vmem>> -> memref<32768xf32, #tpu.memory_space<vmem>>
        tpu.vector_store_idx %parallel_loop3A_208[%parallel_loop3A_205], %parallel_loop3A_204 : memref<32768xf32, #tpu.memory_space<vmem>>[vector<16xi32>], vector<16xf32>,
        %parallel_loop3A_209 = arith.constant 5 : i32
        %parallel_loop3A_210 = vector.broadcast %parallel_loop3A_209 : i32 to vector<16xi32>
        %parallel_loop3A_211 = arith.addi %iota3A, %parallel_loop3A_210 : vector<16xi32>
        %parallel_loop3A_212 = arith.constant 15 : i32
        %parallel_loop3A_213 = vector.broadcast %parallel_loop3A_212 : i32 to vector<16xi32>
        %parallel_loop3A_214 = arith.andi %parallel_loop3A_211, %parallel_loop3A_213 : vector<16xi32>
        %parallel_loop3A_215 = arith.addi %parallel_loop3A_143, %parallel_loop3A_214 : vector<16xi32>
        %parallel_loop3A_216 = tpu.vector_load_idx %arg5[%parallel_loop3A_215] : memref<512xf32, #tpu.memory_space<vmem>>[vector<16xi32>], vector<16xf32>,
        %parallel_loop3A_217 = arith.addi %parallel_loop3A_148, %parallel_loop3A_214 : vector<16xi32>
        %parallel_loop3A_218 = arith.constant 0 : i32
        %parallel_loop3A_219 = tpu.memref_slice %arg7[%parallel_loop3A_72, %parallel_loop3A_218] : memref<2x32768xf32, #tpu.memory_space<vmem>> -> memref<1x32768xf32, #tpu.memory_space<vmem>>
        %parallel_loop3A_220 = tpu.memref_squeeze %parallel_loop3A_219 : memref<1x32768xf32, #tpu.memory_space<vmem>> -> memref<32768xf32, #tpu.memory_space<vmem>>
        tpu.vector_store_idx %parallel_loop3A_220[%parallel_loop3A_217], %parallel_loop3A_216 : memref<32768xf32, #tpu.memory_space<vmem>>[vector<16xi32>], vector<16xf32>,
        %parallel_loop3A_221 = arith.constant 6 : i32
        %parallel_loop3A_222 = vector.broadcast %parallel_loop3A_221 : i32 to vector<16xi32>
        %parallel_loop3A_223 = arith.addi %iota3A, %parallel_loop3A_222 : vector<16xi32>
        %parallel_loop3A_224 = arith.constant 15 : i32
        %parallel_loop3A_225 = vector.broadcast %parallel_loop3A_224 : i32 to vector<16xi32>
        %parallel_loop3A_226 = arith.andi %parallel_loop3A_223, %parallel_loop3A_225 : vector<16xi32>
        %parallel_loop3A_227 = arith.addi %parallel_loop3A_143, %parallel_loop3A_226 : vector<16xi32>
        %parallel_loop3A_228 = tpu.vector_load_idx %arg5[%parallel_loop3A_227] : memref<512xf32, #tpu.memory_space<vmem>>[vector<16xi32>], vector<16xf32>,
        %parallel_loop3A_229 = arith.addi %parallel_loop3A_148, %parallel_loop3A_226 : vector<16xi32>
        %parallel_loop3A_230 = arith.constant 0 : i32
        %parallel_loop3A_231 = tpu.memref_slice %arg7[%parallel_loop3A_72, %parallel_loop3A_230] : memref<2x32768xf32, #tpu.memory_space<vmem>> -> memref<1x32768xf32, #tpu.memory_space<vmem>>
        %parallel_loop3A_232 = tpu.memref_squeeze %parallel_loop3A_231 : memref<1x32768xf32, #tpu.memory_space<vmem>> -> memref<32768xf32, #tpu.memory_space<vmem>>
        tpu.vector_store_idx %parallel_loop3A_232[%parallel_loop3A_229], %parallel_loop3A_228 : memref<32768xf32, #tpu.memory_space<vmem>>[vector<16xi32>], vector<16xf32>,
        %parallel_loop3A_233 = arith.constant 7 : i32
        %parallel_loop3A_234 = vector.broadcast %parallel_loop3A_233 : i32 to vector<16xi32>
        %parallel_loop3A_235 = arith.addi %iota3A, %parallel_loop3A_234 : vector<16xi32>
        %parallel_loop3A_236 = arith.constant 15 : i32
        %parallel_loop3A_237 = vector.broadcast %parallel_loop3A_236 : i32 to vector<16xi32>
        %parallel_loop3A_238 = arith.andi %parallel_loop3A_235, %parallel_loop3A_237 : vector<16xi32>
        %parallel_loop3A_239 = arith.addi %parallel_loop3A_143, %parallel_loop3A_238 : vector<16xi32>
        %parallel_loop3A_240 = tpu.vector_load_idx %arg5[%parallel_loop3A_239] : memref<512xf32, #tpu.memory_space<vmem>>[vector<16xi32>], vector<16xf32>,
        %parallel_loop3A_241 = arith.addi %parallel_loop3A_148, %parallel_loop3A_238 : vector<16xi32>
        %parallel_loop3A_242 = arith.constant 0 : i32
        %parallel_loop3A_243 = tpu.memref_slice %arg7[%parallel_loop3A_72, %parallel_loop3A_242] : memref<2x32768xf32, #tpu.memory_space<vmem>> -> memref<1x32768xf32, #tpu.memory_space<vmem>>
        %parallel_loop3A_244 = tpu.memref_squeeze %parallel_loop3A_243 : memref<1x32768xf32, #tpu.memory_space<vmem>> -> memref<32768xf32, #tpu.memory_space<vmem>>
        tpu.vector_store_idx %parallel_loop3A_244[%parallel_loop3A_241], %parallel_loop3A_240 : memref<32768xf32, #tpu.memory_space<vmem>>[vector<16xi32>], vector<16xf32>,
        %parallel_loop3A_245 = arith.constant 8 : i32
        %parallel_loop3A_246 = vector.broadcast %parallel_loop3A_245 : i32 to vector<16xi32>
        %parallel_loop3A_247 = arith.addi %iota3A, %parallel_loop3A_246 : vector<16xi32>
        %parallel_loop3A_248 = arith.constant 15 : i32
        %parallel_loop3A_249 = vector.broadcast %parallel_loop3A_248 : i32 to vector<16xi32>
        %parallel_loop3A_250 = arith.andi %parallel_loop3A_247, %parallel_loop3A_249 : vector<16xi32>
        %parallel_loop3A_251 = arith.addi %parallel_loop3A_143, %parallel_loop3A_250 : vector<16xi32>
        %parallel_loop3A_252 = tpu.vector_load_idx %arg5[%parallel_loop3A_251] : memref<512xf32, #tpu.memory_space<vmem>>[vector<16xi32>], vector<16xf32>,
        %parallel_loop3A_253 = arith.addi %parallel_loop3A_148, %parallel_loop3A_250 : vector<16xi32>
        %parallel_loop3A_254 = arith.constant 0 : i32
        %parallel_loop3A_255 = tpu.memref_slice %arg7[%parallel_loop3A_72, %parallel_loop3A_254] : memref<2x32768xf32, #tpu.memory_space<vmem>> -> memref<1x32768xf32, #tpu.memory_space<vmem>>
        %parallel_loop3A_256 = tpu.memref_squeeze %parallel_loop3A_255 : memref<1x32768xf32, #tpu.memory_space<vmem>> -> memref<32768xf32, #tpu.memory_space<vmem>>
        tpu.vector_store_idx %parallel_loop3A_256[%parallel_loop3A_253], %parallel_loop3A_252 : memref<32768xf32, #tpu.memory_space<vmem>>[vector<16xi32>], vector<16xf32>,
        %parallel_loop3A_257 = arith.constant 9 : i32
        %parallel_loop3A_258 = vector.broadcast %parallel_loop3A_257 : i32 to vector<16xi32>
        %parallel_loop3A_259 = arith.addi %iota3A, %parallel_loop3A_258 : vector<16xi32>
        %parallel_loop3A_260 = arith.constant 15 : i32
        %parallel_loop3A_261 = vector.broadcast %parallel_loop3A_260 : i32 to vector<16xi32>
        %parallel_loop3A_262 = arith.andi %parallel_loop3A_259, %parallel_loop3A_261 : vector<16xi32>
        %parallel_loop3A_263 = arith.addi %parallel_loop3A_143, %parallel_loop3A_262 : vector<16xi32>
        %parallel_loop3A_264 = tpu.vector_load_idx %arg5[%parallel_loop3A_263] : memref<512xf32, #tpu.memory_space<vmem>>[vector<16xi32>], vector<16xf32>,
        %parallel_loop3A_265 = arith.addi %parallel_loop3A_148, %parallel_loop3A_262 : vector<16xi32>
        %parallel_loop3A_266 = arith.constant 0 : i32
        %parallel_loop3A_267 = tpu.memref_slice %arg7[%parallel_loop3A_72, %parallel_loop3A_266] : memref<2x32768xf32, #tpu.memory_space<vmem>> -> memref<1x32768xf32, #tpu.memory_space<vmem>>
        %parallel_loop3A_268 = tpu.memref_squeeze %parallel_loop3A_267 : memref<1x32768xf32, #tpu.memory_space<vmem>> -> memref<32768xf32, #tpu.memory_space<vmem>>
        tpu.vector_store_idx %parallel_loop3A_268[%parallel_loop3A_265], %parallel_loop3A_264 : memref<32768xf32, #tpu.memory_space<vmem>>[vector<16xi32>], vector<16xf32>,
        %parallel_loop3A_269 = arith.constant 10 : i32
        %parallel_loop3A_270 = vector.broadcast %parallel_loop3A_269 : i32 to vector<16xi32>
        %parallel_loop3A_271 = arith.addi %iota3A, %parallel_loop3A_270 : vector<16xi32>
        %parallel_loop3A_272 = arith.constant 15 : i32
        %parallel_loop3A_273 = vector.broadcast %parallel_loop3A_272 : i32 to vector<16xi32>
        %parallel_loop3A_274 = arith.andi %parallel_loop3A_271, %parallel_loop3A_273 : vector<16xi32>
        %parallel_loop3A_275 = arith.addi %parallel_loop3A_143, %parallel_loop3A_274 : vector<16xi32>
        %parallel_loop3A_276 = tpu.vector_load_idx %arg5[%parallel_loop3A_275] : memref<512xf32, #tpu.memory_space<vmem>>[vector<16xi32>], vector<16xf32>,
        %parallel_loop3A_277 = arith.addi %parallel_loop3A_148, %parallel_loop3A_274 : vector<16xi32>
        %parallel_loop3A_278 = arith.constant 0 : i32
        %parallel_loop3A_279 = tpu.memref_slice %arg7[%parallel_loop3A_72, %parallel_loop3A_278] : memref<2x32768xf32, #tpu.memory_space<vmem>> -> memref<1x32768xf32, #tpu.memory_space<vmem>>
        %parallel_loop3A_280 = tpu.memref_squeeze %parallel_loop3A_279 : memref<1x32768xf32, #tpu.memory_space<vmem>> -> memref<32768xf32, #tpu.memory_space<vmem>>
        tpu.vector_store_idx %parallel_loop3A_280[%parallel_loop3A_277], %parallel_loop3A_276 : memref<32768xf32, #tpu.memory_space<vmem>>[vector<16xi32>], vector<16xf32>,
        %parallel_loop3A_281 = arith.constant 11 : i32
        %parallel_loop3A_282 = vector.broadcast %parallel_loop3A_281 : i32 to vector<16xi32>
        %parallel_loop3A_283 = arith.addi %iota3A, %parallel_loop3A_282 : vector<16xi32>
        %parallel_loop3A_284 = arith.constant 15 : i32
        %parallel_loop3A_285 = vector.broadcast %parallel_loop3A_284 : i32 to vector<16xi32>
        %parallel_loop3A_286 = arith.andi %parallel_loop3A_283, %parallel_loop3A_285 : vector<16xi32>
        %parallel_loop3A_287 = arith.addi %parallel_loop3A_143, %parallel_loop3A_286 : vector<16xi32>
        %parallel_loop3A_288 = tpu.vector_load_idx %arg5[%parallel_loop3A_287] : memref<512xf32, #tpu.memory_space<vmem>>[vector<16xi32>], vector<16xf32>,
        %parallel_loop3A_289 = arith.addi %parallel_loop3A_148, %parallel_loop3A_286 : vector<16xi32>
        %parallel_loop3A_290 = arith.constant 0 : i32
        %parallel_loop3A_291 = tpu.memref_slice %arg7[%parallel_loop3A_72, %parallel_loop3A_290] : memref<2x32768xf32, #tpu.memory_space<vmem>> -> memref<1x32768xf32, #tpu.memory_space<vmem>>
        %parallel_loop3A_292 = tpu.memref_squeeze %parallel_loop3A_291 : memref<1x32768xf32, #tpu.memory_space<vmem>> -> memref<32768xf32, #tpu.memory_space<vmem>>
        tpu.vector_store_idx %parallel_loop3A_292[%parallel_loop3A_289], %parallel_loop3A_288 : memref<32768xf32, #tpu.memory_space<vmem>>[vector<16xi32>], vector<16xf32>,
        %parallel_loop3A_293 = arith.constant 12 : i32
        %parallel_loop3A_294 = vector.broadcast %parallel_loop3A_293 : i32 to vector<16xi32>
        %parallel_loop3A_295 = arith.addi %iota3A, %parallel_loop3A_294 : vector<16xi32>
        %parallel_loop3A_296 = arith.constant 15 : i32
        %parallel_loop3A_297 = vector.broadcast %parallel_loop3A_296 : i32 to vector<16xi32>
        %parallel_loop3A_298 = arith.andi %parallel_loop3A_295, %parallel_loop3A_297 : vector<16xi32>
        %parallel_loop3A_299 = arith.addi %parallel_loop3A_143, %parallel_loop3A_298 : vector<16xi32>
        %parallel_loop3A_300 = tpu.vector_load_idx %arg5[%parallel_loop3A_299] : memref<512xf32, #tpu.memory_space<vmem>>[vector<16xi32>], vector<16xf32>,
        %parallel_loop3A_301 = arith.addi %parallel_loop3A_148, %parallel_loop3A_298 : vector<16xi32>
        %parallel_loop3A_302 = arith.constant 0 : i32
        %parallel_loop3A_303 = tpu.memref_slice %arg7[%parallel_loop3A_72, %parallel_loop3A_302] : memref<2x32768xf32, #tpu.memory_space<vmem>> -> memref<1x32768xf32, #tpu.memory_space<vmem>>
        %parallel_loop3A_304 = tpu.memref_squeeze %parallel_loop3A_303 : memref<1x32768xf32, #tpu.memory_space<vmem>> -> memref<32768xf32, #tpu.memory_space<vmem>>
        tpu.vector_store_idx %parallel_loop3A_304[%parallel_loop3A_301], %parallel_loop3A_300 : memref<32768xf32, #tpu.memory_space<vmem>>[vector<16xi32>], vector<16xf32>,
        %parallel_loop3A_305 = arith.constant 13 : i32
        %parallel_loop3A_306 = vector.broadcast %parallel_loop3A_305 : i32 to vector<16xi32>
        %parallel_loop3A_307 = arith.addi %iota3A, %parallel_loop3A_306 : vector<16xi32>
        %parallel_loop3A_308 = arith.constant 15 : i32
        %parallel_loop3A_309 = vector.broadcast %parallel_loop3A_308 : i32 to vector<16xi32>
        %parallel_loop3A_310 = arith.andi %parallel_loop3A_307, %parallel_loop3A_309 : vector<16xi32>
        %parallel_loop3A_311 = arith.addi %parallel_loop3A_143, %parallel_loop3A_310 : vector<16xi32>
        %parallel_loop3A_312 = tpu.vector_load_idx %arg5[%parallel_loop3A_311] : memref<512xf32, #tpu.memory_space<vmem>>[vector<16xi32>], vector<16xf32>,
        %parallel_loop3A_313 = arith.addi %parallel_loop3A_148, %parallel_loop3A_310 : vector<16xi32>
        %parallel_loop3A_314 = arith.constant 0 : i32
        %parallel_loop3A_315 = tpu.memref_slice %arg7[%parallel_loop3A_72, %parallel_loop3A_314] : memref<2x32768xf32, #tpu.memory_space<vmem>> -> memref<1x32768xf32, #tpu.memory_space<vmem>>
        %parallel_loop3A_316 = tpu.memref_squeeze %parallel_loop3A_315 : memref<1x32768xf32, #tpu.memory_space<vmem>> -> memref<32768xf32, #tpu.memory_space<vmem>>
        tpu.vector_store_idx %parallel_loop3A_316[%parallel_loop3A_313], %parallel_loop3A_312 : memref<32768xf32, #tpu.memory_space<vmem>>[vector<16xi32>], vector<16xf32>,
        %parallel_loop3A_317 = arith.constant 14 : i32
        %parallel_loop3A_318 = vector.broadcast %parallel_loop3A_317 : i32 to vector<16xi32>
        %parallel_loop3A_319 = arith.addi %iota3A, %parallel_loop3A_318 : vector<16xi32>
        %parallel_loop3A_320 = arith.constant 15 : i32
        %parallel_loop3A_321 = vector.broadcast %parallel_loop3A_320 : i32 to vector<16xi32>
        %parallel_loop3A_322 = arith.andi %parallel_loop3A_319, %parallel_loop3A_321 : vector<16xi32>
        %parallel_loop3A_323 = arith.addi %parallel_loop3A_143, %parallel_loop3A_322 : vector<16xi32>
        %parallel_loop3A_324 = tpu.vector_load_idx %arg5[%parallel_loop3A_323] : memref<512xf32, #tpu.memory_space<vmem>>[vector<16xi32>], vector<16xf32>,
        %parallel_loop3A_325 = arith.addi %parallel_loop3A_148, %parallel_loop3A_322 : vector<16xi32>
        %parallel_loop3A_326 = arith.constant 0 : i32
        %parallel_loop3A_327 = tpu.memref_slice %arg7[%parallel_loop3A_72, %parallel_loop3A_326] : memref<2x32768xf32, #tpu.memory_space<vmem>> -> memref<1x32768xf32, #tpu.memory_space<vmem>>
        %parallel_loop3A_328 = tpu.memref_squeeze %parallel_loop3A_327 : memref<1x32768xf32, #tpu.memory_space<vmem>> -> memref<32768xf32, #tpu.memory_space<vmem>>
        tpu.vector_store_idx %parallel_loop3A_328[%parallel_loop3A_325], %parallel_loop3A_324 : memref<32768xf32, #tpu.memory_space<vmem>>[vector<16xi32>], vector<16xf32>,
        %parallel_loop3A_329 = arith.constant 15 : i32
        %parallel_loop3A_330 = vector.broadcast %parallel_loop3A_329 : i32 to vector<16xi32>
        %parallel_loop3A_331 = arith.addi %iota3A, %parallel_loop3A_330 : vector<16xi32>
        %parallel_loop3A_332 = arith.constant 15 : i32
        %parallel_loop3A_333 = vector.broadcast %parallel_loop3A_332 : i32 to vector<16xi32>
        %parallel_loop3A_334 = arith.andi %parallel_loop3A_331, %parallel_loop3A_333 : vector<16xi32>
        %parallel_loop3A_335 = arith.addi %parallel_loop3A_143, %parallel_loop3A_334 : vector<16xi32>
        %parallel_loop3A_336 = tpu.vector_load_idx %arg5[%parallel_loop3A_335] : memref<512xf32, #tpu.memory_space<vmem>>[vector<16xi32>], vector<16xf32>,
        %parallel_loop3A_337 = arith.addi %parallel_loop3A_148, %parallel_loop3A_334 : vector<16xi32>
        %parallel_loop3A_338 = arith.constant 0 : i32
        %parallel_loop3A_339 = tpu.memref_slice %arg7[%parallel_loop3A_72, %parallel_loop3A_338] : memref<2x32768xf32, #tpu.memory_space<vmem>> -> memref<1x32768xf32, #tpu.memory_space<vmem>>
        %parallel_loop3A_340 = tpu.memref_squeeze %parallel_loop3A_339 : memref<1x32768xf32, #tpu.memory_space<vmem>> -> memref<32768xf32, #tpu.memory_space<vmem>>
        tpu.vector_store_idx %parallel_loop3A_340[%parallel_loop3A_337], %parallel_loop3A_336 : memref<32768xf32, #tpu.memory_space<vmem>>[vector<16xi32>], vector<16xf32>,
      } {sc.loop_unroll_factor = 4 : i64, sc.parallel_access}
      %mul3A_73 = arith.constant 2048 : i32
      %mul3A_74 = arith.muli %add3A_48, %mul3A_73 : i32
      %add3A_75 = arith.addi %mul3A_2, %mul3A_74 : i32
      %mul3A_76 = arith.constant 16 : i32
      %mul3A_77 = arith.muli %add3A_75, %mul3A_76 : i32
      %dma_start3A_78 = arith.constant 0 : i32
      %dma_start3A_79 = arith.constant 0 : i32
      %dma_start3A_80 = tpu.memref_slice %arg7[%dma_start3A_78, %dma_start3A_79] : memref<2x32768xf32, #tpu.memory_space<vmem>> -> memref<1x32768xf32, #tpu.memory_space<vmem>>
      %dma_start3A_81 = tpu.memref_squeeze %dma_start3A_80 : memref<1x32768xf32, #tpu.memory_space<vmem>> -> memref<32768xf32, #tpu.memory_space<vmem>>
      %dma_start3A_82 = tpu.memref_slice %arg4[%mul3A_77] : memref<67108864xf32, #tpu.memory_space<hbm>> -> memref<32768xf32, #tpu.memory_space<hbm>>
      %dma_start3A_83 = tpu.memref_slice %arg4[%mul3A_77] : memref<67108864xf32, #tpu.memory_space<hbm>> -> memref<32768xf32, #tpu.memory_space<hbm>>
      %dma_start3A_84 = arith.constant 0 : i32
      %dma_start3A_85 = tpu.memref_slice %arg7[%dma_start3A_78, %dma_start3A_84] : memref<2x32768xf32, #tpu.memory_space<vmem>> -> memref<1x32768xf32, #tpu.memory_space<vmem>>
      %dma_start3A_86 = tpu.memref_squeeze %dma_start3A_85 : memref<1x32768xf32, #tpu.memory_space<vmem>> -> memref<32768xf32, #tpu.memory_space<vmem>>
      tpu.enqueue_dma source(%dma_start3A_86 : memref<32768xf32, #tpu.memory_space<vmem>>) target(%dma_start3A_83 : memref<32768xf32, #tpu.memory_space<hbm>>) target_semaphore(%arg10 : memref<!tpu.dma_semaphore, #tpu.memory_space<semaphore_mem>>)
      %add3A_87 = arith.constant 1 : i32
      %add3A_88 = arith.addi %add3A_46, %add3A_87 : i32
      %add3A_89 = arith.constant 1 : i32
      %add3A_90 = arith.addi %add3A_88, %add3A_89 : i32
      %lt3A_91 = arith.constant 64 : i32
      %lt3A_92 = arith.cmpi slt, %add3A_90, %lt3A_91 : i32
      %convert_element_type3A_93 = arith.extui %lt3A_92 : i1 to i32
      %cond3A_94 = arith.constant 0 : i32
      %cond3A_95 = arith.cmpi ne, %convert_element_type3A_93, %cond3A_94 : i32
      scf.if %cond3A_95 {
        %add3A_133 = arith.constant 1 : i32
        %add3A_134 = arith.addi %add3A_88, %add3A_133 : i32
        %mul3A_135 = arith.constant 2048 : i32
        %mul3A_136 = arith.muli %add3A_134, %mul3A_135 : i32
        %add3A_137 = arith.addi %mul3A_2, %mul3A_136 : i32
        %dma_start3A_138 = arith.constant 0 : i32
        %dma_start3A_139 = arith.constant 0 : i32
        %dma_start3A_140 = tpu.memref_slice %arg6[%dma_start3A_138, %dma_start3A_139] : memref<2x2048xi32, #tpu.memory_space<vmem>> -> memref<1x2048xi32, #tpu.memory_space<vmem>>
        %dma_start3A_141 = tpu.memref_squeeze %dma_start3A_140 : memref<1x2048xi32, #tpu.memory_space<vmem>> -> memref<2048xi32, #tpu.memory_space<vmem>>
        %dma_start3A_142 = tpu.memref_slice %arg3[%add3A_137] : memref<4194304xi32, #tpu.memory_space<hbm>> -> memref<2048xi32, #tpu.memory_space<hbm>>
        %dma_start3A_143 = arith.constant 0 : i32
        %dma_start3A_144 = tpu.memref_slice %arg6[%dma_start3A_138, %dma_start3A_143] : memref<2x2048xi32, #tpu.memory_space<vmem>> -> memref<1x2048xi32, #tpu.memory_space<vmem>>
        %dma_start3A_145 = tpu.memref_squeeze %dma_start3A_144 : memref<1x2048xi32, #tpu.memory_space<vmem>> -> memref<2048xi32, #tpu.memory_space<vmem>>
        %dma_start3A_146 = tpu.memref_slice %arg3[%add3A_137] : memref<4194304xi32, #tpu.memory_space<hbm>> -> memref<2048xi32, #tpu.memory_space<hbm>>
        tpu.enqueue_dma source(%dma_start3A_146 : memref<2048xi32, #tpu.memory_space<hbm>>) target(%dma_start3A_145 : memref<2048xi32, #tpu.memory_space<vmem>>) target_semaphore(%arg8 : memref<!tpu.dma_semaphore, #tpu.memory_space<semaphore_mem>>)
      } else {
      }
      %mul3A_96 = arith.constant 2048 : i32
      %mul3A_97 = arith.muli %add3A_88, %mul3A_96 : i32
      %add3A_98 = arith.addi %mul3A_2, %mul3A_97 : i32
      %dma_wait3A_99 = arith.constant 1 : i32
      %dma_wait3A_100 = arith.constant 0 : i32
      %dma_wait3A_101 = tpu.memref_slice %arg6[%dma_wait3A_99, %dma_wait3A_100] : memref<2x2048xi32, #tpu.memory_space<vmem>> -> memref<1x2048xi32, #tpu.memory_space<vmem>>
      %dma_wait3A_102 = tpu.memref_squeeze %dma_wait3A_101 : memref<1x2048xi32, #tpu.memory_space<vmem>> -> memref<2048xi32, #tpu.memory_space<vmem>>
      %dma_wait3A_103 = tpu.memref_slice %arg3[%add3A_98] : memref<4194304xi32, #tpu.memory_space<hbm>> -> memref<2048xi32, #tpu.memory_space<hbm>>
      %dma_wait3A_104 = arith.constant 0 : i32
      %dma_wait3A_105 = tpu.memref_slice %arg6[%dma_wait3A_99, %dma_wait3A_104] : memref<2x2048xi32, #tpu.memory_space<vmem>> -> memref<1x2048xi32, #tpu.memory_space<vmem>>
      %dma_wait3A_106 = tpu.memref_squeeze %dma_wait3A_105 : memref<1x2048xi32, #tpu.memory_space<vmem>> -> memref<2048xi32, #tpu.memory_space<vmem>>
      %dma_wait3A_107 = tpu.memref_slice %arg3[%add3A_98] : memref<4194304xi32, #tpu.memory_space<hbm>> -> memref<2048xi32, #tpu.memory_space<hbm>>
      tpu.wait_dma2 semaphore(%arg9 : memref<!tpu.dma_semaphore, #tpu.memory_space<semaphore_mem>>) src(%dma_wait3A_107 : memref<2048xi32, #tpu.memory_space<hbm>>) dst(%dma_wait3A_106 : memref<2048xi32, #tpu.memory_space<vmem>>)
      %ge3A_108 = arith.constant 2 : i32
      %ge3A_109 = arith.cmpi sge, %add3A_88, %ge3A_108 : i32
      %convert_element_type3A_110 = arith.extui %ge3A_109 : i1 to i32
      %cond3A_111 = arith.constant 0 : i32
      %cond3A_112 = arith.cmpi ne, %convert_element_type3A_110, %cond3A_111 : i32
      scf.if %cond3A_112 {
        %sub3A = arith.constant 2 : i32
        %sub3A_133 = arith.subi %add3A_88, %sub3A : i32
        %mul3A_134 = arith.constant 2048 : i32
        %mul3A_135 = arith.muli %sub3A_133, %mul3A_134 : i32
        %add3A_136 = arith.addi %mul3A_2, %mul3A_135 : i32
        %mul3A_137 = arith.constant 16 : i32
        %mul3A_138 = arith.muli %add3A_136, %mul3A_137 : i32
        %dma_wait3A_139 = arith.constant 1 : i32
        %dma_wait3A_140 = arith.constant 0 : i32
        %dma_wait3A_141 = tpu.memref_slice %arg7[%dma_wait3A_139, %dma_wait3A_140] : memref<2x32768xf32, #tpu.memory_space<vmem>> -> memref<1x32768xf32, #tpu.memory_space<vmem>>
        %dma_wait3A_142 = tpu.memref_squeeze %dma_wait3A_141 : memref<1x32768xf32, #tpu.memory_space<vmem>> -> memref<32768xf32, #tpu.memory_space<vmem>>
        %dma_wait3A_143 = tpu.memref_slice %arg4[%mul3A_138] : memref<67108864xf32, #tpu.memory_space<hbm>> -> memref<32768xf32, #tpu.memory_space<hbm>>
        %dma_wait3A_144 = tpu.memref_slice %arg4[%mul3A_138] : memref<67108864xf32, #tpu.memory_space<hbm>> -> memref<32768xf32, #tpu.memory_space<hbm>>
        %dma_wait3A_145 = arith.constant 0 : i32
        %dma_wait3A_146 = tpu.memref_slice %arg7[%dma_wait3A_139, %dma_wait3A_145] : memref<2x32768xf32, #tpu.memory_space<vmem>> -> memref<1x32768xf32, #tpu.memory_space<vmem>>
        %dma_wait3A_147 = tpu.memref_squeeze %dma_wait3A_146 : memref<1x32768xf32, #tpu.memory_space<vmem>> -> memref<32768xf32, #tpu.memory_space<vmem>>
        tpu.wait_dma2 semaphore(%arg11 : memref<!tpu.dma_semaphore, #tpu.memory_space<semaphore_mem>>) src(%dma_wait3A_147 : memref<32768xf32, #tpu.memory_space<vmem>>) dst(%dma_wait3A_144 : memref<32768xf32, #tpu.memory_space<hbm>>)
      } else {
      }
      %iota3A_113 = tpu.iota {dimensions = array<i32: 0>} : vector<16xi32>
      %parallel_loop3A_114 = arith.constant 0 : i32
      %parallel_loop3A_115 = arith.constant 128 : i32
      %parallel_loop3A_116 = arith.constant 1 : i32
      %parallel_loop3A_117 = arith.constant 1 : i32
      %parallel_loop3A_118 = arith.constant 1 : i32
      scf.for %parallel_loop3A_133 = %parallel_loop3A_114 to %parallel_loop3A_115 step %parallel_loop3A_116  : i32 {
        %parallel_loop3A_134 = arith.constant 16 : i32
        %parallel_loop3A_135 = arith.muli %parallel_loop3A_133, %parallel_loop3A_134 : i32
        %parallel_loop3A_136 = arith.constant 0 : i32
        %parallel_loop3A_137 = tpu.memref_slice %arg6[%parallel_loop3A_117, %parallel_loop3A_136] : memref<2x2048xi32, #tpu.memory_space<vmem>> -> memref<1x2048xi32, #tpu.memory_space<vmem>>
        %parallel_loop3A_138 = tpu.memref_squeeze %parallel_loop3A_137 : memref<1x2048xi32, #tpu.memory_space<vmem>> -> memref<2048xi32, #tpu.memory_space<vmem>>
        %parallel_loop3A_139 = arith.index_cast %parallel_loop3A_135 : i32 to index
        %parallel_loop3A_140 = tpu.vector_load %parallel_loop3A_138[%parallel_loop3A_139] {strides = array<i32>} : memref<2048xi32, #tpu.memory_space<vmem>>, vector<16xi32>,
        %parallel_loop3A_141 = arith.constant 16 : i32
        %parallel_loop3A_142 = vector.broadcast %parallel_loop3A_141 : i32 to vector<16xi32>
        %parallel_loop3A_143 = arith.muli %parallel_loop3A_140, %parallel_loop3A_142 : vector<16xi32>
        %parallel_loop3A_144 = vector.broadcast %parallel_loop3A_135 : i32 to vector<16xi32>
        %parallel_loop3A_145 = arith.addi %iota3A_113, %parallel_loop3A_144 : vector<16xi32>
        %parallel_loop3A_146 = arith.constant 16 : i32
        %parallel_loop3A_147 = vector.broadcast %parallel_loop3A_146 : i32 to vector<16xi32>
        %parallel_loop3A_148 = arith.muli %parallel_loop3A_145, %parallel_loop3A_147 : vector<16xi32>
        %parallel_loop3A_149 = arith.constant 0 : i32
        %parallel_loop3A_150 = vector.broadcast %parallel_loop3A_149 : i32 to vector<16xi32>
        %parallel_loop3A_151 = arith.addi %iota3A_113, %parallel_loop3A_150 : vector<16xi32>
        %parallel_loop3A_152 = arith.constant 15 : i32
        %parallel_loop3A_153 = vector.broadcast %parallel_loop3A_152 : i32 to vector<16xi32>
        %parallel_loop3A_154 = arith.andi %parallel_loop3A_151, %parallel_loop3A_153 : vector<16xi32>
        %parallel_loop3A_155 = arith.addi %parallel_loop3A_143, %parallel_loop3A_154 : vector<16xi32>
        %parallel_loop3A_156 = tpu.vector_load_idx %arg5[%parallel_loop3A_155] : memref<512xf32, #tpu.memory_space<vmem>>[vector<16xi32>], vector<16xf32>,
        %parallel_loop3A_157 = arith.addi %parallel_loop3A_148, %parallel_loop3A_154 : vector<16xi32>
        %parallel_loop3A_158 = arith.constant 0 : i32
        %parallel_loop3A_159 = tpu.memref_slice %arg7[%parallel_loop3A_118, %parallel_loop3A_158] : memref<2x32768xf32, #tpu.memory_space<vmem>> -> memref<1x32768xf32, #tpu.memory_space<vmem>>
        %parallel_loop3A_160 = tpu.memref_squeeze %parallel_loop3A_159 : memref<1x32768xf32, #tpu.memory_space<vmem>> -> memref<32768xf32, #tpu.memory_space<vmem>>
        tpu.vector_store_idx %parallel_loop3A_160[%parallel_loop3A_157], %parallel_loop3A_156 : memref<32768xf32, #tpu.memory_space<vmem>>[vector<16xi32>], vector<16xf32>,
        %parallel_loop3A_161 = arith.constant 1 : i32
        %parallel_loop3A_162 = vector.broadcast %parallel_loop3A_161 : i32 to vector<16xi32>
        %parallel_loop3A_163 = arith.addi %iota3A_113, %parallel_loop3A_162 : vector<16xi32>
        %parallel_loop3A_164 = arith.constant 15 : i32
        %parallel_loop3A_165 = vector.broadcast %parallel_loop3A_164 : i32 to vector<16xi32>
        %parallel_loop3A_166 = arith.andi %parallel_loop3A_163, %parallel_loop3A_165 : vector<16xi32>
        %parallel_loop3A_167 = arith.addi %parallel_loop3A_143, %parallel_loop3A_166 : vector<16xi32>
        %parallel_loop3A_168 = tpu.vector_load_idx %arg5[%parallel_loop3A_167] : memref<512xf32, #tpu.memory_space<vmem>>[vector<16xi32>], vector<16xf32>,
        %parallel_loop3A_169 = arith.addi %parallel_loop3A_148, %parallel_loop3A_166 : vector<16xi32>
        %parallel_loop3A_170 = arith.constant 0 : i32
        %parallel_loop3A_171 = tpu.memref_slice %arg7[%parallel_loop3A_118, %parallel_loop3A_170] : memref<2x32768xf32, #tpu.memory_space<vmem>> -> memref<1x32768xf32, #tpu.memory_space<vmem>>
        %parallel_loop3A_172 = tpu.memref_squeeze %parallel_loop3A_171 : memref<1x32768xf32, #tpu.memory_space<vmem>> -> memref<32768xf32, #tpu.memory_space<vmem>>
        tpu.vector_store_idx %parallel_loop3A_172[%parallel_loop3A_169], %parallel_loop3A_168 : memref<32768xf32, #tpu.memory_space<vmem>>[vector<16xi32>], vector<16xf32>,
        %parallel_loop3A_173 = arith.constant 2 : i32
        %parallel_loop3A_174 = vector.broadcast %parallel_loop3A_173 : i32 to vector<16xi32>
        %parallel_loop3A_175 = arith.addi %iota3A_113, %parallel_loop3A_174 : vector<16xi32>
        %parallel_loop3A_176 = arith.constant 15 : i32
        %parallel_loop3A_177 = vector.broadcast %parallel_loop3A_176 : i32 to vector<16xi32>
        %parallel_loop3A_178 = arith.andi %parallel_loop3A_175, %parallel_loop3A_177 : vector<16xi32>
        %parallel_loop3A_179 = arith.addi %parallel_loop3A_143, %parallel_loop3A_178 : vector<16xi32>
        %parallel_loop3A_180 = tpu.vector_load_idx %arg5[%parallel_loop3A_179] : memref<512xf32, #tpu.memory_space<vmem>>[vector<16xi32>], vector<16xf32>,
        %parallel_loop3A_181 = arith.addi %parallel_loop3A_148, %parallel_loop3A_178 : vector<16xi32>
        %parallel_loop3A_182 = arith.constant 0 : i32
        %parallel_loop3A_183 = tpu.memref_slice %arg7[%parallel_loop3A_118, %parallel_loop3A_182] : memref<2x32768xf32, #tpu.memory_space<vmem>> -> memref<1x32768xf32, #tpu.memory_space<vmem>>
        %parallel_loop3A_184 = tpu.memref_squeeze %parallel_loop3A_183 : memref<1x32768xf32, #tpu.memory_space<vmem>> -> memref<32768xf32, #tpu.memory_space<vmem>>
        tpu.vector_store_idx %parallel_loop3A_184[%parallel_loop3A_181], %parallel_loop3A_180 : memref<32768xf32, #tpu.memory_space<vmem>>[vector<16xi32>], vector<16xf32>,
        %parallel_loop3A_185 = arith.constant 3 : i32
        %parallel_loop3A_186 = vector.broadcast %parallel_loop3A_185 : i32 to vector<16xi32>
        %parallel_loop3A_187 = arith.addi %iota3A_113, %parallel_loop3A_186 : vector<16xi32>
        %parallel_loop3A_188 = arith.constant 15 : i32
        %parallel_loop3A_189 = vector.broadcast %parallel_loop3A_188 : i32 to vector<16xi32>
        %parallel_loop3A_190 = arith.andi %parallel_loop3A_187, %parallel_loop3A_189 : vector<16xi32>
        %parallel_loop3A_191 = arith.addi %parallel_loop3A_143, %parallel_loop3A_190 : vector<16xi32>
        %parallel_loop3A_192 = tpu.vector_load_idx %arg5[%parallel_loop3A_191] : memref<512xf32, #tpu.memory_space<vmem>>[vector<16xi32>], vector<16xf32>,
        %parallel_loop3A_193 = arith.addi %parallel_loop3A_148, %parallel_loop3A_190 : vector<16xi32>
        %parallel_loop3A_194 = arith.constant 0 : i32
        %parallel_loop3A_195 = tpu.memref_slice %arg7[%parallel_loop3A_118, %parallel_loop3A_194] : memref<2x32768xf32, #tpu.memory_space<vmem>> -> memref<1x32768xf32, #tpu.memory_space<vmem>>
        %parallel_loop3A_196 = tpu.memref_squeeze %parallel_loop3A_195 : memref<1x32768xf32, #tpu.memory_space<vmem>> -> memref<32768xf32, #tpu.memory_space<vmem>>
        tpu.vector_store_idx %parallel_loop3A_196[%parallel_loop3A_193], %parallel_loop3A_192 : memref<32768xf32, #tpu.memory_space<vmem>>[vector<16xi32>], vector<16xf32>,
        %parallel_loop3A_197 = arith.constant 4 : i32
        %parallel_loop3A_198 = vector.broadcast %parallel_loop3A_197 : i32 to vector<16xi32>
        %parallel_loop3A_199 = arith.addi %iota3A_113, %parallel_loop3A_198 : vector<16xi32>
        %parallel_loop3A_200 = arith.constant 15 : i32
        %parallel_loop3A_201 = vector.broadcast %parallel_loop3A_200 : i32 to vector<16xi32>
        %parallel_loop3A_202 = arith.andi %parallel_loop3A_199, %parallel_loop3A_201 : vector<16xi32>
        %parallel_loop3A_203 = arith.addi %parallel_loop3A_143, %parallel_loop3A_202 : vector<16xi32>
        %parallel_loop3A_204 = tpu.vector_load_idx %arg5[%parallel_loop3A_203] : memref<512xf32, #tpu.memory_space<vmem>>[vector<16xi32>], vector<16xf32>,
        %parallel_loop3A_205 = arith.addi %parallel_loop3A_148, %parallel_loop3A_202 : vector<16xi32>
        %parallel_loop3A_206 = arith.constant 0 : i32
        %parallel_loop3A_207 = tpu.memref_slice %arg7[%parallel_loop3A_118, %parallel_loop3A_206] : memref<2x32768xf32, #tpu.memory_space<vmem>> -> memref<1x32768xf32, #tpu.memory_space<vmem>>
        %parallel_loop3A_208 = tpu.memref_squeeze %parallel_loop3A_207 : memref<1x32768xf32, #tpu.memory_space<vmem>> -> memref<32768xf32, #tpu.memory_space<vmem>>
        tpu.vector_store_idx %parallel_loop3A_208[%parallel_loop3A_205], %parallel_loop3A_204 : memref<32768xf32, #tpu.memory_space<vmem>>[vector<16xi32>], vector<16xf32>,
        %parallel_loop3A_209 = arith.constant 5 : i32
        %parallel_loop3A_210 = vector.broadcast %parallel_loop3A_209 : i32 to vector<16xi32>
        %parallel_loop3A_211 = arith.addi %iota3A_113, %parallel_loop3A_210 : vector<16xi32>
        %parallel_loop3A_212 = arith.constant 15 : i32
        %parallel_loop3A_213 = vector.broadcast %parallel_loop3A_212 : i32 to vector<16xi32>
        %parallel_loop3A_214 = arith.andi %parallel_loop3A_211, %parallel_loop3A_213 : vector<16xi32>
        %parallel_loop3A_215 = arith.addi %parallel_loop3A_143, %parallel_loop3A_214 : vector<16xi32>
        %parallel_loop3A_216 = tpu.vector_load_idx %arg5[%parallel_loop3A_215] : memref<512xf32, #tpu.memory_space<vmem>>[vector<16xi32>], vector<16xf32>,
        %parallel_loop3A_217 = arith.addi %parallel_loop3A_148, %parallel_loop3A_214 : vector<16xi32>
        %parallel_loop3A_218 = arith.constant 0 : i32
        %parallel_loop3A_219 = tpu.memref_slice %arg7[%parallel_loop3A_118, %parallel_loop3A_218] : memref<2x32768xf32, #tpu.memory_space<vmem>> -> memref<1x32768xf32, #tpu.memory_space<vmem>>
        %parallel_loop3A_220 = tpu.memref_squeeze %parallel_loop3A_219 : memref<1x32768xf32, #tpu.memory_space<vmem>> -> memref<32768xf32, #tpu.memory_space<vmem>>
        tpu.vector_store_idx %parallel_loop3A_220[%parallel_loop3A_217], %parallel_loop3A_216 : memref<32768xf32, #tpu.memory_space<vmem>>[vector<16xi32>], vector<16xf32>,
        %parallel_loop3A_221 = arith.constant 6 : i32
        %parallel_loop3A_222 = vector.broadcast %parallel_loop3A_221 : i32 to vector<16xi32>
        %parallel_loop3A_223 = arith.addi %iota3A_113, %parallel_loop3A_222 : vector<16xi32>
        %parallel_loop3A_224 = arith.constant 15 : i32
        %parallel_loop3A_225 = vector.broadcast %parallel_loop3A_224 : i32 to vector<16xi32>
        %parallel_loop3A_226 = arith.andi %parallel_loop3A_223, %parallel_loop3A_225 : vector<16xi32>
        %parallel_loop3A_227 = arith.addi %parallel_loop3A_143, %parallel_loop3A_226 : vector<16xi32>
        %parallel_loop3A_228 = tpu.vector_load_idx %arg5[%parallel_loop3A_227] : memref<512xf32, #tpu.memory_space<vmem>>[vector<16xi32>], vector<16xf32>,
        %parallel_loop3A_229 = arith.addi %parallel_loop3A_148, %parallel_loop3A_226 : vector<16xi32>
        %parallel_loop3A_230 = arith.constant 0 : i32
        %parallel_loop3A_231 = tpu.memref_slice %arg7[%parallel_loop3A_118, %parallel_loop3A_230] : memref<2x32768xf32, #tpu.memory_space<vmem>> -> memref<1x32768xf32, #tpu.memory_space<vmem>>
        %parallel_loop3A_232 = tpu.memref_squeeze %parallel_loop3A_231 : memref<1x32768xf32, #tpu.memory_space<vmem>> -> memref<32768xf32, #tpu.memory_space<vmem>>
        tpu.vector_store_idx %parallel_loop3A_232[%parallel_loop3A_229], %parallel_loop3A_228 : memref<32768xf32, #tpu.memory_space<vmem>>[vector<16xi32>], vector<16xf32>,
        %parallel_loop3A_233 = arith.constant 7 : i32
        %parallel_loop3A_234 = vector.broadcast %parallel_loop3A_233 : i32 to vector<16xi32>
        %parallel_loop3A_235 = arith.addi %iota3A_113, %parallel_loop3A_234 : vector<16xi32>
        %parallel_loop3A_236 = arith.constant 15 : i32
        %parallel_loop3A_237 = vector.broadcast %parallel_loop3A_236 : i32 to vector<16xi32>
        %parallel_loop3A_238 = arith.andi %parallel_loop3A_235, %parallel_loop3A_237 : vector<16xi32>
        %parallel_loop3A_239 = arith.addi %parallel_loop3A_143, %parallel_loop3A_238 : vector<16xi32>
        %parallel_loop3A_240 = tpu.vector_load_idx %arg5[%parallel_loop3A_239] : memref<512xf32, #tpu.memory_space<vmem>>[vector<16xi32>], vector<16xf32>,
        %parallel_loop3A_241 = arith.addi %parallel_loop3A_148, %parallel_loop3A_238 : vector<16xi32>
        %parallel_loop3A_242 = arith.constant 0 : i32
        %parallel_loop3A_243 = tpu.memref_slice %arg7[%parallel_loop3A_118, %parallel_loop3A_242] : memref<2x32768xf32, #tpu.memory_space<vmem>> -> memref<1x32768xf32, #tpu.memory_space<vmem>>
        %parallel_loop3A_244 = tpu.memref_squeeze %parallel_loop3A_243 : memref<1x32768xf32, #tpu.memory_space<vmem>> -> memref<32768xf32, #tpu.memory_space<vmem>>
        tpu.vector_store_idx %parallel_loop3A_244[%parallel_loop3A_241], %parallel_loop3A_240 : memref<32768xf32, #tpu.memory_space<vmem>>[vector<16xi32>], vector<16xf32>,
        %parallel_loop3A_245 = arith.constant 8 : i32
        %parallel_loop3A_246 = vector.broadcast %parallel_loop3A_245 : i32 to vector<16xi32>
        %parallel_loop3A_247 = arith.addi %iota3A_113, %parallel_loop3A_246 : vector<16xi32>
        %parallel_loop3A_248 = arith.constant 15 : i32
        %parallel_loop3A_249 = vector.broadcast %parallel_loop3A_248 : i32 to vector<16xi32>
        %parallel_loop3A_250 = arith.andi %parallel_loop3A_247, %parallel_loop3A_249 : vector<16xi32>
        %parallel_loop3A_251 = arith.addi %parallel_loop3A_143, %parallel_loop3A_250 : vector<16xi32>
        %parallel_loop3A_252 = tpu.vector_load_idx %arg5[%parallel_loop3A_251] : memref<512xf32, #tpu.memory_space<vmem>>[vector<16xi32>], vector<16xf32>,
        %parallel_loop3A_253 = arith.addi %parallel_loop3A_148, %parallel_loop3A_250 : vector<16xi32>
        %parallel_loop3A_254 = arith.constant 0 : i32
        %parallel_loop3A_255 = tpu.memref_slice %arg7[%parallel_loop3A_118, %parallel_loop3A_254] : memref<2x32768xf32, #tpu.memory_space<vmem>> -> memref<1x32768xf32, #tpu.memory_space<vmem>>
        %parallel_loop3A_256 = tpu.memref_squeeze %parallel_loop3A_255 : memref<1x32768xf32, #tpu.memory_space<vmem>> -> memref<32768xf32, #tpu.memory_space<vmem>>
        tpu.vector_store_idx %parallel_loop3A_256[%parallel_loop3A_253], %parallel_loop3A_252 : memref<32768xf32, #tpu.memory_space<vmem>>[vector<16xi32>], vector<16xf32>,
        %parallel_loop3A_257 = arith.constant 9 : i32
        %parallel_loop3A_258 = vector.broadcast %parallel_loop3A_257 : i32 to vector<16xi32>
        %parallel_loop3A_259 = arith.addi %iota3A_113, %parallel_loop3A_258 : vector<16xi32>
        %parallel_loop3A_260 = arith.constant 15 : i32
        %parallel_loop3A_261 = vector.broadcast %parallel_loop3A_260 : i32 to vector<16xi32>
        %parallel_loop3A_262 = arith.andi %parallel_loop3A_259, %parallel_loop3A_261 : vector<16xi32>
        %parallel_loop3A_263 = arith.addi %parallel_loop3A_143, %parallel_loop3A_262 : vector<16xi32>
        %parallel_loop3A_264 = tpu.vector_load_idx %arg5[%parallel_loop3A_263] : memref<512xf32, #tpu.memory_space<vmem>>[vector<16xi32>], vector<16xf32>,
        %parallel_loop3A_265 = arith.addi %parallel_loop3A_148, %parallel_loop3A_262 : vector<16xi32>
        %parallel_loop3A_266 = arith.constant 0 : i32
        %parallel_loop3A_267 = tpu.memref_slice %arg7[%parallel_loop3A_118, %parallel_loop3A_266] : memref<2x32768xf32, #tpu.memory_space<vmem>> -> memref<1x32768xf32, #tpu.memory_space<vmem>>
        %parallel_loop3A_268 = tpu.memref_squeeze %parallel_loop3A_267 : memref<1x32768xf32, #tpu.memory_space<vmem>> -> memref<32768xf32, #tpu.memory_space<vmem>>
        tpu.vector_store_idx %parallel_loop3A_268[%parallel_loop3A_265], %parallel_loop3A_264 : memref<32768xf32, #tpu.memory_space<vmem>>[vector<16xi32>], vector<16xf32>,
        %parallel_loop3A_269 = arith.constant 10 : i32
        %parallel_loop3A_270 = vector.broadcast %parallel_loop3A_269 : i32 to vector<16xi32>
        %parallel_loop3A_271 = arith.addi %iota3A_113, %parallel_loop3A_270 : vector<16xi32>
        %parallel_loop3A_272 = arith.constant 15 : i32
        %parallel_loop3A_273 = vector.broadcast %parallel_loop3A_272 : i32 to vector<16xi32>
        %parallel_loop3A_274 = arith.andi %parallel_loop3A_271, %parallel_loop3A_273 : vector<16xi32>
        %parallel_loop3A_275 = arith.addi %parallel_loop3A_143, %parallel_loop3A_274 : vector<16xi32>
        %parallel_loop3A_276 = tpu.vector_load_idx %arg5[%parallel_loop3A_275] : memref<512xf32, #tpu.memory_space<vmem>>[vector<16xi32>], vector<16xf32>,
        %parallel_loop3A_277 = arith.addi %parallel_loop3A_148, %parallel_loop3A_274 : vector<16xi32>
        %parallel_loop3A_278 = arith.constant 0 : i32
        %parallel_loop3A_279 = tpu.memref_slice %arg7[%parallel_loop3A_118, %parallel_loop3A_278] : memref<2x32768xf32, #tpu.memory_space<vmem>> -> memref<1x32768xf32, #tpu.memory_space<vmem>>
        %parallel_loop3A_280 = tpu.memref_squeeze %parallel_loop3A_279 : memref<1x32768xf32, #tpu.memory_space<vmem>> -> memref<32768xf32, #tpu.memory_space<vmem>>
        tpu.vector_store_idx %parallel_loop3A_280[%parallel_loop3A_277], %parallel_loop3A_276 : memref<32768xf32, #tpu.memory_space<vmem>>[vector<16xi32>], vector<16xf32>,
        %parallel_loop3A_281 = arith.constant 11 : i32
        %parallel_loop3A_282 = vector.broadcast %parallel_loop3A_281 : i32 to vector<16xi32>
        %parallel_loop3A_283 = arith.addi %iota3A_113, %parallel_loop3A_282 : vector<16xi32>
        %parallel_loop3A_284 = arith.constant 15 : i32
        %parallel_loop3A_285 = vector.broadcast %parallel_loop3A_284 : i32 to vector<16xi32>
        %parallel_loop3A_286 = arith.andi %parallel_loop3A_283, %parallel_loop3A_285 : vector<16xi32>
        %parallel_loop3A_287 = arith.addi %parallel_loop3A_143, %parallel_loop3A_286 : vector<16xi32>
        %parallel_loop3A_288 = tpu.vector_load_idx %arg5[%parallel_loop3A_287] : memref<512xf32, #tpu.memory_space<vmem>>[vector<16xi32>], vector<16xf32>,
        %parallel_loop3A_289 = arith.addi %parallel_loop3A_148, %parallel_loop3A_286 : vector<16xi32>
        %parallel_loop3A_290 = arith.constant 0 : i32
        %parallel_loop3A_291 = tpu.memref_slice %arg7[%parallel_loop3A_118, %parallel_loop3A_290] : memref<2x32768xf32, #tpu.memory_space<vmem>> -> memref<1x32768xf32, #tpu.memory_space<vmem>>
        %parallel_loop3A_292 = tpu.memref_squeeze %parallel_loop3A_291 : memref<1x32768xf32, #tpu.memory_space<vmem>> -> memref<32768xf32, #tpu.memory_space<vmem>>
        tpu.vector_store_idx %parallel_loop3A_292[%parallel_loop3A_289], %parallel_loop3A_288 : memref<32768xf32, #tpu.memory_space<vmem>>[vector<16xi32>], vector<16xf32>,
        %parallel_loop3A_293 = arith.constant 12 : i32
        %parallel_loop3A_294 = vector.broadcast %parallel_loop3A_293 : i32 to vector<16xi32>
        %parallel_loop3A_295 = arith.addi %iota3A_113, %parallel_loop3A_294 : vector<16xi32>
        %parallel_loop3A_296 = arith.constant 15 : i32
        %parallel_loop3A_297 = vector.broadcast %parallel_loop3A_296 : i32 to vector<16xi32>
        %parallel_loop3A_298 = arith.andi %parallel_loop3A_295, %parallel_loop3A_297 : vector<16xi32>
        %parallel_loop3A_299 = arith.addi %parallel_loop3A_143, %parallel_loop3A_298 : vector<16xi32>
        %parallel_loop3A_300 = tpu.vector_load_idx %arg5[%parallel_loop3A_299] : memref<512xf32, #tpu.memory_space<vmem>>[vector<16xi32>], vector<16xf32>,
        %parallel_loop3A_301 = arith.addi %parallel_loop3A_148, %parallel_loop3A_298 : vector<16xi32>
        %parallel_loop3A_302 = arith.constant 0 : i32
        %parallel_loop3A_303 = tpu.memref_slice %arg7[%parallel_loop3A_118, %parallel_loop3A_302] : memref<2x32768xf32, #tpu.memory_space<vmem>> -> memref<1x32768xf32, #tpu.memory_space<vmem>>
        %parallel_loop3A_304 = tpu.memref_squeeze %parallel_loop3A_303 : memref<1x32768xf32, #tpu.memory_space<vmem>> -> memref<32768xf32, #tpu.memory_space<vmem>>
        tpu.vector_store_idx %parallel_loop3A_304[%parallel_loop3A_301], %parallel_loop3A_300 : memref<32768xf32, #tpu.memory_space<vmem>>[vector<16xi32>], vector<16xf32>,
        %parallel_loop3A_305 = arith.constant 13 : i32
        %parallel_loop3A_306 = vector.broadcast %parallel_loop3A_305 : i32 to vector<16xi32>
        %parallel_loop3A_307 = arith.addi %iota3A_113, %parallel_loop3A_306 : vector<16xi32>
        %parallel_loop3A_308 = arith.constant 15 : i32
        %parallel_loop3A_309 = vector.broadcast %parallel_loop3A_308 : i32 to vector<16xi32>
        %parallel_loop3A_310 = arith.andi %parallel_loop3A_307, %parallel_loop3A_309 : vector<16xi32>
        %parallel_loop3A_311 = arith.addi %parallel_loop3A_143, %parallel_loop3A_310 : vector<16xi32>
        %parallel_loop3A_312 = tpu.vector_load_idx %arg5[%parallel_loop3A_311] : memref<512xf32, #tpu.memory_space<vmem>>[vector<16xi32>], vector<16xf32>,
        %parallel_loop3A_313 = arith.addi %parallel_loop3A_148, %parallel_loop3A_310 : vector<16xi32>
        %parallel_loop3A_314 = arith.constant 0 : i32
        %parallel_loop3A_315 = tpu.memref_slice %arg7[%parallel_loop3A_118, %parallel_loop3A_314] : memref<2x32768xf32, #tpu.memory_space<vmem>> -> memref<1x32768xf32, #tpu.memory_space<vmem>>
        %parallel_loop3A_316 = tpu.memref_squeeze %parallel_loop3A_315 : memref<1x32768xf32, #tpu.memory_space<vmem>> -> memref<32768xf32, #tpu.memory_space<vmem>>
        tpu.vector_store_idx %parallel_loop3A_316[%parallel_loop3A_313], %parallel_loop3A_312 : memref<32768xf32, #tpu.memory_space<vmem>>[vector<16xi32>], vector<16xf32>,
        %parallel_loop3A_317 = arith.constant 14 : i32
        %parallel_loop3A_318 = vector.broadcast %parallel_loop3A_317 : i32 to vector<16xi32>
        %parallel_loop3A_319 = arith.addi %iota3A_113, %parallel_loop3A_318 : vector<16xi32>
        %parallel_loop3A_320 = arith.constant 15 : i32
        %parallel_loop3A_321 = vector.broadcast %parallel_loop3A_320 : i32 to vector<16xi32>
        %parallel_loop3A_322 = arith.andi %parallel_loop3A_319, %parallel_loop3A_321 : vector<16xi32>
        %parallel_loop3A_323 = arith.addi %parallel_loop3A_143, %parallel_loop3A_322 : vector<16xi32>
        %parallel_loop3A_324 = tpu.vector_load_idx %arg5[%parallel_loop3A_323] : memref<512xf32, #tpu.memory_space<vmem>>[vector<16xi32>], vector<16xf32>,
        %parallel_loop3A_325 = arith.addi %parallel_loop3A_148, %parallel_loop3A_322 : vector<16xi32>
        %parallel_loop3A_326 = arith.constant 0 : i32
        %parallel_loop3A_327 = tpu.memref_slice %arg7[%parallel_loop3A_118, %parallel_loop3A_326] : memref<2x32768xf32, #tpu.memory_space<vmem>> -> memref<1x32768xf32, #tpu.memory_space<vmem>>
        %parallel_loop3A_328 = tpu.memref_squeeze %parallel_loop3A_327 : memref<1x32768xf32, #tpu.memory_space<vmem>> -> memref<32768xf32, #tpu.memory_space<vmem>>
        tpu.vector_store_idx %parallel_loop3A_328[%parallel_loop3A_325], %parallel_loop3A_324 : memref<32768xf32, #tpu.memory_space<vmem>>[vector<16xi32>], vector<16xf32>,
        %parallel_loop3A_329 = arith.constant 15 : i32
        %parallel_loop3A_330 = vector.broadcast %parallel_loop3A_329 : i32 to vector<16xi32>
        %parallel_loop3A_331 = arith.addi %iota3A_113, %parallel_loop3A_330 : vector<16xi32>
        %parallel_loop3A_332 = arith.constant 15 : i32
        %parallel_loop3A_333 = vector.broadcast %parallel_loop3A_332 : i32 to vector<16xi32>
        %parallel_loop3A_334 = arith.andi %parallel_loop3A_331, %parallel_loop3A_333 : vector<16xi32>
        %parallel_loop3A_335 = arith.addi %parallel_loop3A_143, %parallel_loop3A_334 : vector<16xi32>
        %parallel_loop3A_336 = tpu.vector_load_idx %arg5[%parallel_loop3A_335] : memref<512xf32, #tpu.memory_space<vmem>>[vector<16xi32>], vector<16xf32>,
        %parallel_loop3A_337 = arith.addi %parallel_loop3A_148, %parallel_loop3A_334 : vector<16xi32>
        %parallel_loop3A_338 = arith.constant 0 : i32
        %parallel_loop3A_339 = tpu.memref_slice %arg7[%parallel_loop3A_118, %parallel_loop3A_338] : memref<2x32768xf32, #tpu.memory_space<vmem>> -> memref<1x32768xf32, #tpu.memory_space<vmem>>
        %parallel_loop3A_340 = tpu.memref_squeeze %parallel_loop3A_339 : memref<1x32768xf32, #tpu.memory_space<vmem>> -> memref<32768xf32, #tpu.memory_space<vmem>>
        tpu.vector_store_idx %parallel_loop3A_340[%parallel_loop3A_337], %parallel_loop3A_336 : memref<32768xf32, #tpu.memory_space<vmem>>[vector<16xi32>], vector<16xf32>,
      } {sc.loop_unroll_factor = 4 : i64, sc.parallel_access}
      %mul3A_119 = arith.constant 2048 : i32
      %mul3A_120 = arith.muli %add3A_88, %mul3A_119 : i32
      %add3A_121 = arith.addi %mul3A_2, %mul3A_120 : i32
      %mul3A_122 = arith.constant 16 : i32
      %mul3A_123 = arith.muli %add3A_121, %mul3A_122 : i32
      %dma_start3A_124 = arith.constant 1 : i32
      %dma_start3A_125 = arith.constant 0 : i32
      %dma_start3A_126 = tpu.memref_slice %arg7[%dma_start3A_124, %dma_start3A_125] : memref<2x32768xf32, #tpu.memory_space<vmem>> -> memref<1x32768xf32, #tpu.memory_space<vmem>>
      %dma_start3A_127 = tpu.memref_squeeze %dma_start3A_126 : memref<1x32768xf32, #tpu.memory_space<vmem>> -> memref<32768xf32, #tpu.memory_space<vmem>>
      %dma_start3A_128 = tpu.memref_slice %arg4[%mul3A_123] : memref<67108864xf32, #tpu.memory_space<hbm>> -> memref<32768xf32, #tpu.memory_space<hbm>>
      %dma_start3A_129 = tpu.memref_slice %arg4[%mul3A_123] : memref<67108864xf32, #tpu.memory_space<hbm>> -> memref<32768xf32, #tpu.memory_space<hbm>>
      %dma_start3A_130 = arith.constant 0 : i32
      %dma_start3A_131 = tpu.memref_slice %arg7[%dma_start3A_124, %dma_start3A_130] : memref<2x32768xf32, #tpu.memory_space<vmem>> -> memref<1x32768xf32, #tpu.memory_space<vmem>>
      %dma_start3A_132 = tpu.memref_squeeze %dma_start3A_131 : memref<1x32768xf32, #tpu.memory_space<vmem>> -> memref<32768xf32, #tpu.memory_space<vmem>>
      tpu.enqueue_dma source(%dma_start3A_132 : memref<32768xf32, #tpu.memory_space<vmem>>) target(%dma_start3A_129 : memref<32768xf32, #tpu.memory_space<hbm>>) target_semaphore(%arg11 : memref<!tpu.dma_semaphore, #tpu.memory_space<semaphore_mem>>)
    }
    %scan3A_16 = arith.constant 32 : i32
    %add3A_17 = arith.constant 126976 : i32
    %add3A_18 = arith.addi %mul3A_2, %add3A_17 : i32
    %mul3A_19 = arith.constant 16 : i32
    %mul3A_20 = arith.muli %add3A_18, %mul3A_19 : i32
    %dma_wait3A = arith.constant 0 : i32
    %dma_wait3A_21 = arith.constant 0 : i32
    %dma_wait3A_22 = tpu.memref_slice %arg7[%dma_wait3A, %dma_wait3A_21] : memref<2x32768xf32, #tpu.memory_space<vmem>> -> memref<1x32768xf32, #tpu.memory_space<vmem>>
    %dma_wait3A_23 = tpu.memref_squeeze %dma_wait3A_22 : memref<1x32768xf32, #tpu.memory_space<vmem>> -> memref<32768xf32, #tpu.memory_space<vmem>>
    %dma_wait3A_24 = tpu.memref_slice %arg4[%mul3A_20] : memref<67108864xf32, #tpu.memory_space<hbm>> -> memref<32768xf32, #tpu.memory_space<hbm>>
    %dma_wait3A_25 = tpu.memref_slice %arg4[%mul3A_20] : memref<67108864xf32, #tpu.memory_space<hbm>> -> memref<32768xf32, #tpu.memory_space<hbm>>
    %dma_wait3A_26 = arith.constant 0 : i32
    %dma_wait3A_27 = tpu.memref_slice %arg7[%dma_wait3A, %dma_wait3A_26] : memref<2x32768xf32, #tpu.memory_space<vmem>> -> memref<1x32768xf32, #tpu.memory_space<vmem>>
    %dma_wait3A_28 = tpu.memref_squeeze %dma_wait3A_27 : memref<1x32768xf32, #tpu.memory_space<vmem>> -> memref<32768xf32, #tpu.memory_space<vmem>>
    tpu.wait_dma2 semaphore(%arg10 : memref<!tpu.dma_semaphore, #tpu.memory_space<semaphore_mem>>) src(%dma_wait3A_28 : memref<32768xf32, #tpu.memory_space<vmem>>) dst(%dma_wait3A_25 : memref<32768xf32, #tpu.memory_space<hbm>>)
    %add3A_29 = arith.constant 129024 : i32
    %add3A_30 = arith.addi %mul3A_2, %add3A_29 : i32
    %mul3A_31 = arith.constant 16 : i32
    %mul3A_32 = arith.muli %add3A_30, %mul3A_31 : i32
    %dma_wait3A_33 = arith.constant 1 : i32
    %dma_wait3A_34 = arith.constant 0 : i32
    %dma_wait3A_35 = tpu.memref_slice %arg7[%dma_wait3A_33, %dma_wait3A_34] : memref<2x32768xf32, #tpu.memory_space<vmem>> -> memref<1x32768xf32, #tpu.memory_space<vmem>>
    %dma_wait3A_36 = tpu.memref_squeeze %dma_wait3A_35 : memref<1x32768xf32, #tpu.memory_space<vmem>> -> memref<32768xf32, #tpu.memory_space<vmem>>
    %dma_wait3A_37 = tpu.memref_slice %arg4[%mul3A_32] : memref<67108864xf32, #tpu.memory_space<hbm>> -> memref<32768xf32, #tpu.memory_space<hbm>>
    %dma_wait3A_38 = tpu.memref_slice %arg4[%mul3A_32] : memref<67108864xf32, #tpu.memory_space<hbm>> -> memref<32768xf32, #tpu.memory_space<hbm>>
    %dma_wait3A_39 = arith.constant 0 : i32
    %dma_wait3A_40 = tpu.memref_slice %arg7[%dma_wait3A_33, %dma_wait3A_39] : memref<2x32768xf32, #tpu.memory_space<vmem>> -> memref<1x32768xf32, #tpu.memory_space<vmem>>
    %dma_wait3A_41 = tpu.memref_squeeze %dma_wait3A_40 : memref<1x32768xf32, #tpu.memory_space<vmem>> -> memref<32768xf32, #tpu.memory_space<vmem>>
    tpu.wait_dma2 semaphore(%arg11 : memref<!tpu.dma_semaphore, #tpu.memory_space<semaphore_mem>>) src(%dma_wait3A_41 : memref<32768xf32, #tpu.memory_space<vmem>>) dst(%dma_wait3A_38 : memref<32768xf32, #tpu.memory_space<hbm>>)
    return
  }
}

</mosaic_0001>

<sc_bundles>
// kernel: kernel.3.cloned.1.call-start
scs
__scs_entry_jumppad:
0x0: {  	(pc) =	sbr.rel $0x88, $3  }
0x1: {  	(tag) =	ssettag $0x0;
	lr =	simm.s32 $0x1  }
0x2: {  	[smem:$0x3F9F] =	sst lr;
	_ =	strace $0xD0000000  }
0x3: {  	_ = 	snop  }
0x4: {  	_ = 	snop  }
0x5: {  	_ = 	snop  }
0x6: {  	_ = 	snop  }
0x7: {  	_ = 	snop  }
__scs_overlays_trampoline_lowered:
0x8: {  	[smem:$0x3FAE] =	sst s0  }
0x9: {  	[smem:$0x3FAF] =	sst s1  }
0xa: {  	[smem:$0x3FB0] =	sst s2  }
0xb: {  	[smem:$0x3FB1] =	sst s3  }
0xc: {  	[smem:$0x3FB2] =	sst s4  }
0xd: {  	[smem:$0x3FB3] =	sst s5  }
0xe: {  	[smem:$0x3FB4] =	sst s6  }
0xf: {  	[smem:$0x3FB5] =	sst s7  }
0x10: {  	[smem:$0x3FB6] =	sst s8  }
0x11: {  	[smem:$0x3FB7] =	sst s9;
	s0 =	simm.s32 @!p0 $0x0  }
0x12: {  	s1 =	sld [smem:$0x3F9D];
	s0 =	simm.s32 @p0 $0x1  }
0x13: {  	[smem:$0x3FB8] =	sst s0;
	s0 =	simm.s32 @!p1 $0x0  }
0x14: {  	s2 =	sld [smem:$0x3F9C];
	s0 =	simm.s32 @p1 $0x1  }
0x15: {  	[smem:$0x3FB9] =	sst s0;
	s0 =	simm.s32 @!p2 $0x0  }
0x16: {  	s3 =	sld [smem:$0x3FDB];
	s0 =	simm.s32 @p2 $0x1  }
0x17: {  	s4 =	simm.s32 $0x1BF5;
	[smem:$0x3FBB] =	sst s0  }
0x18: {  	s0 =	sld [smem:$0x3F9E];
	_ =	swait.ge [sflag:s4], $0x0  }
0x19: {  	s7 =	sld [smem:$0x3F9F]  }
0x1a: {  	s8 =	sadd.s32 $0xFFFFE003, lr  }
0x1b: {  	s9 =	sadd.s32 $0xFFFFFEF7, lr;
	s5 =	simm.s32 $0xFFFFFFFF;
	p2 =	slt.u32 s8, $0xFFFFF086  }
0x1c: {  	p1 =	slt.u32 s9, $0xF7A;
	s5 =	simm.s32 @!p2 $0x0  }
0x1d: {  	s5 =	simm.s32 @p1 $0x1;
	p0 =	seq.s32 s7, s2  }
0x1e: {  	s7 =	smul.u32 @!p0 $0xF7A, s2;
	p2 =	seq.s32 @!p0 s5, $0x0  }
0x1f: {  	s9 =	smul.u32 $0xF7A, s1;
	s8 =	simm.s32 @!p0 $0x1BF5;
	p2 =	por !p2, p0  }
0x20: {  	[sflag:s8] =	ssyncset.s32 @!p0 $0xFFFFF086;
	s6 =	sadd.s32 @!p0 s3, s7;
	s7 =	simm.s32 @!p0 $0x108  }
0x21: {  	s3 =	sadd.s32 s3, s9;
	s6 =	sadd.s32 @!p0 $0x88, s6;
	s7 =	simm.s32 @p2 $0x1082  }
0x22: {  	[simem:s7], [sflag:s8] =	dma.local @!p0 [hbm:s6], $0xF7A  }
0x23: {  	s9 =	sor.u32 $0xD0000000, s2;
	s6 =	simm.s32 $0x108;
	_ =	swait.ge @!p0 [sflag:s8], $0x0  }
0x24: {  	s3 =	sadd.s32 $0x88, s3;
	s6 =	simm.s32 @!p1 $0x1082;
	[sflag:s4] =	ssyncset.s32 $0xFFFFF086  }
0x25: {  	[simem:s6], [sflag:s4] =	dma.local [hbm:s3], $0xF7A  }
0x26: {  	[smem:$0x3F9F] =	sst s1;
	(tag) =	ssettag s2;
	_ =	strace s9  }
0x27: {  	s1 =	sld [smem:$0x3FAF]  }
0x28: {  	s2 =	sld [smem:$0x3FB0]  }
0x29: {  	s4 =	sld [smem:$0x3FB2]  }
0x2a: {  	p0 =	seq.s32 s5, $0x0;
	s5 =	sld [smem:$0x3FB3]  }
0x2b: {  	s6 =	sld [smem:$0x3FB4]  }
0x2c: {  	s7 =	sld [smem:$0x3FB5]  }
0x2d: {  	s3 =	simm.s32 $0x108;
	s8 =	sld [smem:$0x3FB6]  }
0x2e: {  	s3 =	simm.s32 @!p0 $0x1082;
	s9 =	sld [smem:$0x3FB7]  }
0x2f: {  	lr =	sadd.s32 s0, s3;
	s0 =	sld [smem:$0x3FAE]  }
0x30: {  	s3 =	sld [smem:$0x3FB1]  }
0x31: {  	[smem:$0x3FBA] =	sst s10  }
0x32: {  	s10 =	sld [smem:$0x3FB8];
	_ =	sdelay $0x3  }
0x33: {  	p0 =	seq.s32 s10, $0x1;
	s10 =	sld [smem:$0x3FBA];
	_ =	sdelay $0x3  }
0x34: {  	[smem:$0x3FBA] =	sst s10  }
0x35: {  	s10 =	sld [smem:$0x3FB9];
	_ =	sdelay $0x3  }
0x36: {  	p1 =	seq.s32 s10, $0x1;
	s10 =	sld [smem:$0x3FBA];
	_ =	sdelay $0x3  }
0x37: {  	[smem:$0x3FBA] =	sst s10  }
0x38: {  	s10 =	sld [smem:$0x3FBB]  }
0x39: {  	_ = 	snop;
	(pc) =	sbr.ind lr, $3  }
0x3a: {  	_ = 	snop  }
0x3b: {  	_ = 	snop  }
0x3c: {  	p2 =	seq.s32 s10, $0x1;
	s10 =	sld [smem:$0x3FBA]  }
0x3d: {  	_ =	shalt  }
0x3e: {  	_ =	shalt  }
0x3f: {  	_ =	shalt  }
0x40: {  	_ =	shalt  }
0x41: {  	_ =	shalt  }
0x42: {  	_ =	shalt  }
0x43: {  	_ =	shalt  }
0x44: {  	_ =	shalt  }
0x45: {  	_ =	shalt  }
0x46: {  	_ =	shalt  }
0x47: {  	_ =	shalt  }
0x48: {  	_ =	shalt  }
0x49: {  	_ =	shalt  }
0x4a: {  	_ =	shalt  }
0x4b: {  	_ =	shalt  }
0x4c: {  	_ =	shalt  }
0x4d: {  	_ =	shalt  }
0x4e: {  	_ =	shalt  }
0x4f: {  	_ =	shalt  }
0x50: {  	_ =	shalt  }
0x51: {  	_ =	shalt  }
0x52: {  	_ =	shalt  }
0x53: {  	_ =	shalt  }
0x54: {  	_ =	shalt  }
0x55: {  	_ =	shalt  }
0x56: {  	_ =	shalt  }
0x57: {  	_ =	shalt  }
0x58: {  	_ =	shalt  }
0x59: {  	_ =	shalt  }
0x5a: {  	_ =	shalt  }
0x5b: {  	_ =	shalt  }
0x5c: {  	_ =	shalt  }
0x5d: {  	_ =	shalt  }
0x5e: {  	_ =	shalt  }
0x5f: {  	_ =	shalt  }
0x60: {  	_ =	shalt  }
0x61: {  	_ =	shalt  }
0x62: {  	_ =	shalt  }
0x63: {  	_ =	shalt  }
0x64: {  	_ =	shalt  }
0x65: {  	_ =	shalt  }
0x66: {  	_ =	shalt  }
0x67: {  	_ =	shalt  }
0x68: {  	_ =	shalt  }
0x69: {  	_ =	shalt  }
0x6a: {  	_ =	shalt  }
0x6b: {  	_ =	shalt  }
0x6c: {  	_ =	shalt  }
0x6d: {  	_ =	shalt  }
0x6e: {  	_ =	shalt  }
0x6f: {  	_ =	shalt  }
0x70: {  	_ =	shalt  }
0x71: {  	_ =	shalt  }
0x72: {  	_ =	shalt  }
0x73: {  	_ =	shalt  }
0x74: {  	_ =	shalt  }
0x75: {  	_ =	shalt  }
0x76: {  	_ =	shalt  }
0x77: {  	_ =	shalt  }
0x78: {  	_ =	shalt  }
0x79: {  	_ =	shalt  }
0x7a: {  	_ =	shalt  }
0x7b: {  	_ =	shalt  }
0x7c: {  	_ =	shalt  }
0x7d: {  	_ =	shalt  }
0x7e: {  	_ =	shalt  }
0x7f: {  	_ =	shalt  }
0x80: {  	_ =	shalt  }
0x81: {  	_ =	shalt  }
0x82: {  	_ =	shalt  }
0x83: {  	_ =	shalt  }
0x84: {  	_ =	shalt  }
0x85: {  	_ =	shalt  }
0x86: {  	_ =	shalt  }
0x87: {  	_ =	shalt  }
.Lfunc_end0:
.L_simem_size_0:
called_computation.1_lowered:
.L_overlay_start_0:
0x88: {  	s2 =	sld [smem:$0x3FD9]  }
0x89: {  	s3 =	sld [smem:$0x3FFE];
	_ =	sdelay $0x1  }
0x8a: {  	s1 =	srdreg.scid  }
0x8b: {  	s0 =	sand.u32 $0x1, s1  }
0x8c: {  	s17 =	sshll.u32 s0, $0xA;
	s2 =	sadd.s32 s3, s2  }
0x8d: {  	s2 =	sadd.s32 s2, s17  }
0x8e: {  	[smem:$0x3FC6] =	sst s2  }
0x8f: {  	_ = 	snop  }
0x90: {  	s2 =	sld [smem:$0x3FD0];
	(tm) =	ssettm $0x1  }
0x91: {  	s18 =	sld [smem:$0x3FFB];
	_ =	sdelay $0x3  }
0x92: {  	_ =	strace s18  }
0x93: {  	s3 =	sld [smem:$0x3FFC];
	_ =	sdelay $0x3  }
0x94: {  	_ =	strace s3  }
0x95: {  	s3 =	sld [smem:$0x3FFD];
	_ =	sdelay $0x3  }
0x96: {  	_ =	strace s3  }
0x97: {  	_ =	strace $0x8FFFFFFF  }
0x98: {  	s19 =	sld [smem:$0x3FDB];
	_ =	sdelay $0x1  }
0x99: {  	s4 =	simm.s32 $_scs_section_size  }
0x9a: {  	s5 =	simm.s32 $_size__tile_overlayer_lowered;
	s6 =	simm.s32 $_tile_overlayer_lowered  }
0x9b: {  	s22 =	simm.s32 $0x1BFF;
	s21 =	sshll.u32 s6, $0x1;
	s3 =	sadd.s32 s4, s19  }
0x9c: {  	s7 =	simm.s32 $0x0;
	s20 =	sshll.u32 s5, $0x1;
	s5 =	sadd.s32 s21, s3  }
0x9d: {  	[timem:s7], [sflag:s22] =	dma.local [hbm:s5], s20  }
0x9e: {  	_ =	swait.ge [sflag:s22], s20  }
0x9f: {  	s4 =	ssub.s32 $0x0, s20;
	[sflag:s22] =	ssyncset.done $0x0  }
0xa0: {  	[sflag:s22] =	ssyncadd.s32 s4;
	_ =	sdelay $0x1  }
0xa1: {  	s23 =	simm.s32 $0x1B8B  }
0xa2: {  	_ =	swait.ge [sflag:s23], $0x1  }
0xa3: {  	[sflag:s23] =	ssyncset.done $0x0  }
0xa4: {  	s25 =	simm.s32 $0x1B8E;
	s24 =	sld [smem:$0x3FFE];
	[sflag:s23] =	ssyncadd.s32 $0xFFFFFFFF  }
0xa5: {  	s26 =	simm.s32 $execute0_lowered;
	[smem:$0x3FD2] =	sst s25  }
0xa6: {  	s5 =	sshll.u32 s26, $0x1;
	_ =	strace $0x80000046;
	[dreg:$0x1] =	wrdreg $0xFFFFFFFF  }
0xa7: {  	s28 =	simm.s32 $_size_execute0_lowered;
	s3 =	sadd.s32 s3, s5;
	[dreg:$0x0] =	wrdreg $0x0  }
0xa8: {  	s5 =	sshll.u32 s28, $0x1;
	[dreg:$0x2] =	wrdreg s3  }
0xa9: {  	[dreg:$0x3] =	wrdreg s5  }
0xaa: {  	[dreg:$0x4] =	wrdreg $0xC0  }
0xab: {  	_ =	task [dreg:s7], $0x5FFFF  }
0xac: {  	[dreg:$0x1] =	wrdreg $0xFFFFFFFF  }
0xad: {  	[dreg:$0x0] =	wrdreg $0x60  }
0xae: {  	[dreg:$0x2] =	wrdreg s24  }
0xaf: {  	[dreg:$0x3] =	wrdreg s2  }
0xb0: {  	[dreg:$0x4] =	wrdreg $0x9  }
0xb1: {  	_ =	task.clear_ibuf [dreg:s7], $0x5FFFF;
	_ =	strace $0x90000046  }
0xb2: {  	s29 =	simm.s32 $0x9;
	_ =	strace $0x80000048  }
0xb3: {  	_ =	swait.ge [sflag:s29], $0x1  }
0xb4: {  	[sflag:s29] =	ssyncadd.s32 $0xFFFFFFFF  }
0xb5: {  	_ =	strace $0x90000048  }
0xb6: {  	_ =	sfence  }
0xb7: {  	s30 =	sld [smem:$0x0];
	_ =	sdelay $0x2  }
0xb8: {  	s31 =	sshll.u32 s1, $0xD;
	s1 =	sshrl.u32 s1, $0x2  }
0xb9: {  	s3 =	sand.u32 $0x4000, s31;
	s1 =	sadd.s32 s1, s30  }
0xba: {  	s0 =	sor.u32 s3, s0;
	s1 =	sshll.u32 s1, $0x11  }
0xbb: {  	s0 =	sor.u32 s1, s0  }
0xbc: {  	s0 =	sadd.s32 $0x8F2B, s0  }
0xbd: {  	[sflag:s0] =	ssyncadd.remote.s32 $0x1  }
0xbe: {  	_ =	sfence.sel $0xFFFF  }
0xbf: {  	[dreg:$0x0] =	wrdreg $0xFFFFFFFF;
	(pc) =	sbr.abs _section_cstart, $3  }
0xc0: {  	[dreg:$0x1] =	wrdreg $0xFFFFFFFF  }
0xc1: {  	_ =	task.clear_ibuf [dreg:s7], $0x2FFFF;
	_ =	strace $0x9FFFFFFF  }
0xc2: {  	(tm) =	ssettm $0x7FFFFFFF  }
0xc3: {  	_ =	shalt  }
tec
execute0_lowered:
.L_overlay_start_1:
0x0: {  	(tag) =	ssettag $0x1  }
0x1: {  	v1 =	vimm.s32 $0xFEDCBA9;
	v0 =	vlaneseq.u32  }
0x2: {  	v3 =	vimm.s32 $0x87654321;
	v4 =	vimm.s32 $0x98765432;
	v5 =	vimm.s32 $0x210FEDCB  }
0x3: {  	v6 =	vimm.s32 $0xA9876543;
	v16 =	vimm.s32 $0xCBA98765;
	v18 =	vimm.s32 $0x6543210F  }
0x4: {  	v19 =	vimm.s32 $0xEDCBA987;
	v20 =	vimm.s32 $0xFEDCBA98;
	v21 =	vimm.s32 $0x76543210  }
0x5: {  	v2 =	vunpack.c.l.s4.s8 v1;
	v1 =	vmul.u32 $0x10, v0;
	v4 =	vunpack.c.l.s4.s8 v4  }
0x6: {  	v5 =	vunpack.c.l.s4.s8 v5;
	v18 =	vunpack.c.l.s4.s8 v18;
	v19 =	vunpack.c.l.s4.s8 v19  }
0x7: {  	v20 =	vunpack.c.l.s4.s8 v20;
	v8 =	vunpack.c.0.s8.s32 v2;
	v2 =	vunpack.c.l.s4.s8 v3  }
0x8: {  	v3 =	vimm.s32 $0x10FEDCBA;
	v11 =	vunpack.c.0.s8.s32 v4;
	v12 =	vunpack.c.0.s8.s32 v5  }
0x9: {  	v18 =	vunpack.c.0.s8.s32 v18;
	v19 =	vunpack.c.0.s8.s32 v19;
	v3 =	vunpack.c.l.s4.s8 v3  }
0xa: {  	v20 =	vunpack.c.0.s8.s32 v20;
	v9 =	vunpack.c.0.s8.s32 v2;
	v2 =	vunpack.c.l.s4.s8 v6  }
0xb: {  	v24 =	vcombine.low v19, v18;
	v10 =	vunpack.c.0.s8.s32 v3;
	v3 =	vimm.s32 $0x3210FEDC  }
0xc: {  	v20 =	vand.u32 $0xF, v20;
	v13 =	vunpack.c.0.s8.s32 v2;
	v2 =	vunpack.c.l.s4.s8 v3  }
0xd: {  	v3 =	vimm.s32 $0xBA987654;
	v4 =	vcombine.low v9, v8;
	v63 =	vcombine.low v8, v9  }
0xe: {  	v9 =	vand.u32 $0xF, v24;
	v5 =	vcombine.low v11, v10;
	v3 =	vunpack.c.l.s4.s8 v3  }
0xf: {  	s4 =	rddreg [dreg:$0x0];
	v11 =	vcombine.low v10, v11;
	v6 =	vcombine.low v13, v12;
	v14 =	vunpack.c.0.s8.s32 v2  }
0x10: {  	s7 =	rddreg [dreg:$0x1];
	v2 =	vimm.s32 $0x43210FED;
	v12 =	vcombine.low v12, v13;
	v15 =	vunpack.c.0.s8.s32 v3  }
0x11: {  	s0 =	rddreg [dreg:$0x2];
	v7 =	vunpack.c.l.s4.s8 v2;
	v3 =	vand.u32 $0xF, v5;
	v5 =	vunpack.c.l.s4.s8 v16  }
0x12: {  	s1 =	simm.s32 $0x0;
	s3 =	srdreg.scid;
	s2 =	stileid.u32;
	v10 =	vand.u32 $0xF, v63;
	v2 =	vand.u32 $0xF, v4;
	v11 =	vand.u32 $0xF, v11  }
0x13: {  	s11 =	simm.s32 $0x200;
	s12 =	simm.s32 $0xA00;
	s13 =	simm.s32 $0x1;
	v4 =	vand.u32 $0xF, v6;
	v16 =	vunpack.c.0.s8.s32 v7;
	v17 =	vunpack.c.0.s8.s32 v5  }
0x14: {  	s14 =	simm.s32 $0x1200;
	s15 =	simm.s32 $0x2;
	s16 =	simm.s32 $0x4;
	v5 =	vimm.s32 $0x543210FE;
	v7 =	vimm.s32 $0xDCBA9876;
	v13 =	vcombine.low v14, v15  }
0x15: {  	s17 =	simm.s32 $0x9200;
	s18 =	simm.s32 $0x3;
	s19 =	simm.s32 $0x0;
	v12 =	vand.u32 $0xF, v12;
	v5 =	vunpack.c.l.s4.s8 v5;
	v7 =	vunpack.c.l.s4.s8 v7  }
0x16: {  	[smem:$0x7FF] =	sst s1;
	s5 =	sand.u32 $0x1, s3;
	s3 =	sadd.s32 $0x800, s4;
	v6 =	vcombine.low v15, v14;
	v14 =	vcombine.low v16, v17;
	v13 =	vand.u32 $0xF, v13  }
0x17: {  	s6 =	sshll.u32 s2, $0x12;
	s4 =	sadd.s32 $0xA00, s4;
	s8 =	sshll.u32 s5, $0x11;
	v22 =	vunpack.c.0.s8.s32 v5;
	v23 =	vunpack.c.0.s8.s32 v7;
	v7 =	vunpack.c.l.s4.s8 v21  }
0x18: {  	_ =	strace $0x80000047;
	s9 =	ssub.s32 $0x2, s5;
	s5 =	sor.u32 s8, s6;
	v5 =	vand.u32 $0xF, v6;
	v6 =	vcombine.low v17, v16;
	v16 =	vcombine.low v18, v19  }
0x19: {  	s31 =	sshrl.u32 s9, $0x1;
	s8 =	sshrl.u32 s5, $0x3;
	s10 =	sshll.u32 s5, $0x1;
	v7 =	vunpack.c.0.s8.s32 v7;
	v62 =	vcombine.low v23, v22;
	v15 =	vcombine.low v22, v23  }
0x1a: {  	s9 =	ssub.s32 s9, s31;
	s6 =	sadd.s32 s4, s8;
	s7 =	sadd.s32 s7, s10;
	v14 =	vand.u32 $0xF, v14;
	v6 =	vand.u32 $0xF, v6;
	v16 =	vand.u32 $0xF, v16  }
0x1b: {  	s8 =	sor.u32 $0x1000, s5;
	s9 =	smax.u32 s9, $0x1;
	s10 =	simm.s32 $0x5;
	v7 =	vcombine.low v20, v7;
	v8 =	vand.u32 $0xF, v62;
	v15 =	vand.u32 $0xF, v15  }
.LBB2_1:
0x1c: {  	[tilespmem:s1], [sflag:$0x5] =	stream.linear.gather [hbm4b:s3+s1], $0x200, $0x38;
	[tilespmem:$0x11200] =	vst v63  }
0x1d: {  	_ =	swait.ge [sflag:s10], $0x200  }
0x1e: {  	[sflag:s10] =	ssyncset.done $0x0  }
0x1f: {  	s20 =	simm.s32 $0x0;
	[sflag:s10] =	ssyncadd.s32 $0xFFFFFE00  }
0x20: {  	[tilespmem:s11], [sflag:$0x1] =	stream.linear.gather [hbm4b:s6+s1], $0x800, $0x38;
	[tilespmem:$0x11200] =	vst v63  }
.LBB2_2:
0x21: {  	s21 =	sshllo.u32 s20, $0x1  }
0x22: {  	s22 =	sshll.u32 s21, $0xB  }
0x23: {  	s22 =	sadd.s32 s5, s22  }
0x24: {  	s22 =	sshrl.u32 s22, $0x3  }
0x25: {  	s22 =	sadd.s32 s4, s22  }
0x26: {  	[tilespmem:s12], [sflag:$0x2] =	stream.linear.gather [hbm4b:s22+s1], $0x800, $0x38;
	[tilespmem:$0x11200] =	vst v63  }
0x27: {  	_ =	swait.ge [sflag:s13], $0x800  }
0x28: {  	p0 =	seq.s32 s20, $0x0;
	[sflag:s13] =	ssyncset.done $0x0  }
0x29: {  	s22 =	simm.s32 @!p0 $0x3;
	[sflag:s13] =	ssyncadd.s32 $0xFFFFF800  }
0x2a: {  	_ =	swait.ge @!p0 [sflag:s22], $0x8000  }
0x2b: {  	[sflag:s22] =	ssyncset.done @!p0 $0x0  }
0x2c: {  	s24 =	simm.s32 $0x220;
	[sflag:s22] =	ssyncadd.s32 @!p0 $0xFFFF8000  }
0x2d: {  	v17 =	vld [tilespmem:s24+$0x10];
	_ =	sdelay $0x1  }
0x2e: {  	v19 =	vld [tilespmem:s24+$0xFFFFFFF0];
	_ =	sdelay $0x1  }
0x2f: {  	v20 =	vld [tilespmem:s24+$0x0]  }
0x30: {  	v18 =	vshll.u32 v17, $0x4  }
0x31: {  	v23 =	vor.u32 v0, v18  }
0x32: {  	s25 =	simm.s32 $0x30;
	v17 =	vld [tilespmem:s24+$0xFFFFFFE0];
	v22 =	vshll.u32 v19, $0x4  }
0x33: {  	v21 =	vmov s25;
	v19 =	vor.u32 v0, v22  }
0x34: {  	s26 =	simm.s32 $0x10;
	v21 =	vshll.u32 v21, $0x4;
	v20 =	vshll.u32 v20, $0x4  }
0x35: {  	v24 =	vmov s26;
	v21 =	vor.u32 v1, v21;
	v25 =	vor.u32 v0, v20  }
0x36: {  	s28 =	simm.s32 $0x20;
	v27 =	vor.u32 v0, v21;
	v28 =	vor.u32 v2, v18;
	v26 =	vld.idx.msk [tilespmem:v23+s1+$0x0], $0xffff;
	v23 =	vshll.u32 v24, $0x4  }
0x37: {  	v17 =	vshll.u32 v17, $0x4;
	v24 =	vmov s28;
	v23 =	vor.u32 v1, v23  }
0x38: {  	v29 =	vor.u32 v0, v17;
	v30 =	vld.idx.msk [tilespmem:v19+s1+$0x0], $0xffff;
	v19 =	vshll.u32 v24, $0x4;
	v31 =	vor.u32 v0, v23  }
0x39: {  	s29 =	simm.s32 $0x0;
	v32 =	vor.u32 v2, v22;
	v24 =	vor.u32 v1, v19  }
0x3a: {  	v25 =	vld.idx.msk [tilespmem:v25+s1+$0x0], $0xffff;
	v19 =	vmov s29;
	v33 =	vor.u32 v0, v24  }
0x3b: {  	v34 =	vor.u32 v2, v20;
	v19 =	vshll.u32 v19, $0x4;
	[tilespmem:v27+s14+$0x0] =	vst.idx.msk $0xffff, v26  }
0x3c: {  	v19 =	vor.u32 v1, v19;
	v27 =	vor.u32 v2, v21;
	v26 =	vld.idx.msk [tilespmem:v28+s1+$0x0], $0xffff  }
0x3d: {  	v28 =	vld.idx.msk [tilespmem:v29+s1+$0x0], $0xffff;
	v29 =	vor.u32 v0, v19;
	[tilespmem:v31+s14+$0x0] =	vst.idx.msk $0xffff, v30;
	v30 =	vor.u32 v3, v18  }
0x3e: {  	v35 =	vor.u32 v2, v23;
	v31 =	vor.u32 v2, v17;
	v32 =	vld.idx.msk [tilespmem:v32+s1+$0x0], $0xffff  }
0x3f: {  	[tilespmem:v33+s14+$0x0] =	vst.idx.msk $0xffff, v25;
	v25 =	vor.u32 v3, v22  }
0x40: {  	v61 =	vor.u32 v2, v24;
	v33 =	vld.idx.msk [tilespmem:v34+s1+$0x0], $0xffff  }
0x41: {  	v36 =	vor.u32 v3, v20;
	[tilespmem:v27+s14+$0x0] =	vst.idx.msk $0xffff, v26  }
0x42: {  	[tilespmem:v29+s14+$0x0] =	vst.idx.msk $0xffff, v28;
	v27 =	vor.u32 v3, v21;
	v26 =	vld.idx.msk [tilespmem:v30+s1+$0x0], $0xffff  }
0x43: {  	v29 =	vor.u32 v2, v19;
	v28 =	vld.idx.msk [tilespmem:v31+s1+$0x0], $0xffff;
	v30 =	vor.u32 v4, v18;
	[tilespmem:v35+s14+$0x0] =	vst.idx.msk $0xffff, v32  }
0x44: {  	v62 =	vor.u32 v3, v23;
	v31 =	vor.u32 v3, v17;
	v25 =	vld.idx.msk [tilespmem:v25+s1+$0x0], $0xffff  }
0x45: {  	[tilespmem:v61+s14+$0x0] =	vst.idx.msk $0xffff, v33  }
0x46: {  	v63 =	vor.u32 v4, v22;
	v40 =	vor.u32 v3, v24;
	v34 =	vld.idx.msk [tilespmem:v36+s1+$0x0], $0xffff  }
0x47: {  	v41 =	vor.u32 v4, v20;
	[tilespmem:v27+s14+$0x0] =	vst.idx.msk $0xffff, v26  }
0x48: {  	[tilespmem:v29+s14+$0x0] =	vst.idx.msk $0xffff, v28;
	v27 =	vor.u32 v4, v21;
	v26 =	vld.idx.msk [tilespmem:v30+s1+$0x0], $0xffff  }
0x49: {  	v29 =	vor.u32 v3, v19;
	v28 =	vld.idx.msk [tilespmem:v31+s1+$0x0], $0xffff;
	[tilespmem:v62+s14+$0x0] =	vst.idx.msk $0xffff, v25;
	v25 =	vor.u32 v5, v18  }
0x4a: {  	v30 =	vor.u32 v4, v17  }
0x4b: {  	v42 =	vor.u32 v4, v23;
	v31 =	vld.idx.msk [tilespmem:v63+s1+$0x0], $0xffff;
	[tilespmem:v40+s14+$0x0] =	vst.idx.msk $0xffff, v34  }
0x4c: {  	v43 =	vor.u32 v5, v22;
	v44 =	vor.u32 v4, v24;
	v34 =	vld.idx.msk [tilespmem:v41+s1+$0x0], $0xffff  }
0x4d: {  	v45 =	vor.u32 v5, v20;
	[tilespmem:v27+s14+$0x0] =	vst.idx.msk $0xffff, v26  }
0x4e: {  	[tilespmem:v29+s14+$0x0] =	vst.idx.msk $0xffff, v28;
	v26 =	vor.u32 v5, v21;
	v25 =	vld.idx.msk [tilespmem:v25+s1+$0x0], $0xffff  }
0x4f: {  	v28 =	vor.u32 v4, v19;
	v29 =	vor.u32 v6, v18;
	v27 =	vld.idx.msk [tilespmem:v30+s1+$0x0], $0xffff  }
0x50: {  	v30 =	vor.u32 v5, v17;
	[tilespmem:v42+s14+$0x0] =	vst.idx.msk $0xffff, v31  }
0x51: {  	v46 =	vor.u32 v5, v23;
	v31 =	vld.idx.msk [tilespmem:v43+s1+$0x0], $0xffff;
	[tilespmem:v44+s14+$0x0] =	vst.idx.msk $0xffff, v34  }
0x52: {  	v48 =	vor.u32 v5, v24;
	v34 =	vld.idx.msk [tilespmem:v45+s1+$0x0], $0xffff  }
0x53: {  	[tilespmem:v26+s14+$0x0] =	vst.idx.msk $0xffff, v25;
	v25 =	vor.u32 v6, v20  }
0x54: {  	v47 =	vor.u32 v6, v22;
	[tilespmem:v28+s14+$0x0] =	vst.idx.msk $0xffff, v27;
	v27 =	vor.u32 v6, v21;
	v26 =	vld.idx.msk [tilespmem:v29+s1+$0x0], $0xffff  }
0x55: {  	v28 =	vld.idx.msk [tilespmem:v30+s1+$0x0], $0xffff;
	v29 =	vor.u32 v5, v19;
	v30 =	vor.u32 v8, v18  }
0x56: {  	[tilespmem:v46+s14+$0x0] =	vst.idx.msk $0xffff, v31;
	v31 =	vor.u32 v6, v17  }
0x57: {  	[tilespmem:v48+s14+$0x0] =	vst.idx.msk $0xffff, v34  }
0x58: {  	v50 =	vor.u32 v6, v24;
	v25 =	vld.idx.msk [tilespmem:v25+s1+$0x0], $0xffff  }
0x59: {  	v51 =	vor.u32 v6, v23;
	v32 =	vld.idx.msk [tilespmem:v47+s1+$0x0], $0xffff;
	[tilespmem:v27+s14+$0x0] =	vst.idx.msk $0xffff, v26;
	v26 =	vor.u32 v8, v20  }
0x5a: {  	[tilespmem:v29+s14+$0x0] =	vst.idx.msk $0xffff, v28;
	v27 =	vor.u32 v8, v22;
	v28 =	vld.idx.msk [tilespmem:v30+s1+$0x0], $0xffff  }
0x5b: {  	s22 =	simm.s32 $0x260;
	v30 =	vld.idx.msk [tilespmem:v31+s1+$0x0], $0xffff;
	v31 =	vor.u32 v6, v19  }
0x5c: {  	v58 =	vor.u32 v7, v21;
	v38 =	vld [tilespmem:s22+$0x10];
	v39 =	vor.u32 v8, v17  }
0x5d: {  	v37 =	vor.u32 v9, v18;
	v40 =	vld [tilespmem:s22+$0xFFFFFFE0];
	v29 =	vor.u32 v8, v21;
	[tilespmem:v50+s14+$0x0] =	vst.idx.msk $0xffff, v25  }
0x5e: {  	v54 =	vor.u32 v9, v20;
	[tilespmem:v51+s14+$0x0] =	vst.idx.msk $0xffff, v32;
	v25 =	vld.idx.msk [tilespmem:v26+s1+$0x0], $0xffff;
	v26 =	vor.u32 v8, v24  }
0x5f: {  	v55 =	vor.u32 v7, v20;
	v53 =	vor.u32 v8, v23;
	v56 =	vor.u32 v9, v24;
	v27 =	vld.idx.msk [tilespmem:v27+s1+$0x0], $0xffff  }
0x60: {  	v49 =	vld [tilespmem:s22+$0xFFFFFFF0];
	v60 =	vor.u32 v7, v24;
	[tilespmem:v31+s14+$0x0] =	vst.idx.msk $0xffff, v30;
	v31 =	vor.u32 v9, v22  }
0x61: {  	v62 =	vor.u32 v9, v19;
	v41 =	vor.u32 v9, v21;
	v42 =	vor.u32 v8, v19;
	v39 =	vld.idx.msk [tilespmem:v39+s1+$0x0], $0xffff  }
0x62: {  	v52 =	vld [tilespmem:s22+$0x0];
	v43 =	vor.u32 v7, v18;
	v44 =	vor.u32 v9, v17;
	[tilespmem:v29+s14+$0x0] =	vst.idx.msk $0xffff, v28;
	v29 =	vshll.u32 v40, $0x4  }
0x63: {  	s30 =	simm.s32 $0x70;
	v46 =	vor.u32 v9, v23;
	v37 =	vld.idx.msk [tilespmem:v37+s1+$0x0], $0xffff;
	v45 =	vor.u32 v0, v29;
	[tilespmem:v26+s14+$0x0] =	vst.idx.msk $0xffff, v25  }
0x64: {  	s23 =	simm.s32 $0x40;
	v59 =	vmov s30;
	v34 =	vor.u32 v14, v17;
	v28 =	vshll.u32 v38, $0x4;
	[tilespmem:v53+s14+$0x0] =	vst.idx.msk $0xffff, v27;
	v35 =	vld.idx.msk [tilespmem:v54+s1+$0x0], $0xffff  }
0x65: {  	v47 =	vor.u32 v7, v22;
	v38 =	vor.u32 v0, v28;
	v27 =	vmov s23;
	v31 =	vld.idx.msk [tilespmem:v31+s1+$0x0], $0xffff  }
0x66: {  	v32 =	vshll.u32 v59, $0x4;
	v26 =	vshll.u32 v49, $0x4;
	v27 =	vshll.u32 v27, $0x4;
	[tilespmem:v42+s14+$0x0] =	vst.idx.msk $0xffff, v39  }
0x67: {  	v25 =	vshll.u32 v52, $0x4;
	v61 =	vor.u32 v0, v26;
	v27 =	vor.u32 v1, v27;
	v39 =	vld.idx.msk [tilespmem:v44+s1+$0x0], $0xffff  }
0x68: {  	s24 =	simm.s32 $0x50;
	[tilespmem:v41+s14+$0x0] =	vst.idx.msk $0xffff, v37;
	v42 =	vor.u32 v0, v25;
	v63 =	vld.idx.msk [tilespmem:v45+s1+$0x0], $0xffff;
	v53 =	vor.u32 v0, v27  }
0x69: {  	v48 =	vmov s24;
	v59 =	vor.u32 v7, v23;
	v33 =	vor.u32 v1, v32;
	v57 =	vld.idx.msk [tilespmem:v43+s1+$0x0], $0xffff;
	[tilespmem:v56+s14+$0x0] =	vst.idx.msk $0xffff, v35  }
0x6a: {  	v52 =	vor.u32 v7, v17;
	v38 =	vld.idx.msk [tilespmem:v38+s1+$0x0], $0xffff;
	[tilespmem:v46+s14+$0x0] =	vst.idx.msk $0xffff, v31;
	v31 =	vshll.u32 v48, $0x4  }
0x6b: {  	v50 =	vor.u32 v10, v22;
	v54 =	vor.u32 v10, v18;
	v40 =	vld.idx.msk [tilespmem:v55+s1+$0x0], $0xffff;
	v31 =	vor.u32 v1, v31  }
0x6c: {  	s31 =	simm.s32 $0x60;
	v35 =	vor.u32 v10, v20;
	v61 =	vld.idx.msk [tilespmem:v61+s1+$0x0], $0xffff;
	[tilespmem:v62+s14+$0x0] =	vst.idx.msk $0xffff, v39;
	v62 =	vor.u32 v0, v31  }
0x6d: {  	v56 =	vor.u32 v0, v33;
	v55 =	vmov s31;
	v42 =	vld.idx.msk [tilespmem:v42+s1+$0x0], $0xffff;
	[tilespmem:v53+s14+$0x0] =	vst.idx.msk $0xffff, v63;
	v63 =	vor.u32 v2, v26  }
0x6e: {  	[tilespmem:v58+s14+$0x0] =	vst.idx.msk $0xffff, v57;
	v57 =	vld.idx.msk [tilespmem:v47+s1+$0x0], $0xffff;
	v58 =	vor.u32 v2, v29;
	v32 =	vshll.u32 v55, $0x4  }
0x6f: {  	v30 =	vor.u32 v14, v23;
	v49 =	vor.u32 v7, v19;
	v39 =	vld.idx.msk [tilespmem:v52+s1+$0x0], $0xffff;
	v32 =	vor.u32 v1, v32  }
0x70: {  	v46 =	vld.idx.msk [tilespmem:v54+s1+$0x0], $0xffff;
	v52 =	vor.u32 v10, v17;
	v51 =	vor.u32 v0, v32;
	[tilespmem:v60+s14+$0x0] =	vst.idx.msk $0xffff, v40  }
0x71: {  	v60 =	vor.u32 v2, v28;
	[tilespmem:v62+s14+$0x0] =	vst.idx.msk $0xffff, v61;
	v35 =	vld.idx.msk [tilespmem:v35+s1+$0x0], $0xffff;
	v61 =	vor.u32 v10, v21  }
0x72: {  	[tilespmem:v56+s14+$0x0] =	vst.idx.msk $0xffff, v38;
	v38 =	vor.u32 v10, v24;
	v40 =	vld.idx.msk [tilespmem:v63+s1+$0x0], $0xffff;
	v63 =	vor.u32 v2, v25  }
0x73: {  	v45 =	vor.u32 v2, v31;
	v56 =	vor.u32 v11, v20;
	v43 =	vld.idx.msk [tilespmem:v58+s1+$0x0], $0xffff;
	[tilespmem:v59+s14+$0x0] =	vst.idx.msk $0xffff, v57  }
0x74: {  	v48 =	vor.u32 v11, v18;
	v57 =	vor.u32 v2, v27;
	[tilespmem:v49+s14+$0x0] =	vst.idx.msk $0xffff, v39;
	v39 =	vld.idx.msk [tilespmem:v50+s1+$0x0], $0xffff  }
0x75: {  	v58 =	vor.u32 v3, v29;
	v59 =	vor.u32 v10, v23;
	[tilespmem:v51+s14+$0x0] =	vst.idx.msk $0xffff, v42;
	v42 =	vld.idx.msk [tilespmem:v52+s1+$0x0], $0xffff  }
0x76: {  	v62 =	vor.u32 v11, v22;
	v51 =	vor.u32 v10, v19;
	v36 =	vld.idx.msk [tilespmem:v60+s1+$0x0], $0xffff;
	[tilespmem:v61+s14+$0x0] =	vst.idx.msk $0xffff, v46  }
0x77: {  	v61 =	vor.u32 v2, v33;
	[tilespmem:v38+s14+$0x0] =	vst.idx.msk $0xffff, v35;
	v60 =	vld.idx.msk [tilespmem:v63+s1+$0x0], $0xffff;
	v63 =	vor.u32 v11, v17  }
0x78: {  	v54 =	vor.u32 v3, v26;
	v55 =	vor.u32 v2, v32;
	[tilespmem:v45+s14+$0x0] =	vst.idx.msk $0xffff, v40;
	v40 =	vld.idx.msk [tilespmem:v56+s1+$0x0], $0xffff  }
0x79: {  	[tilespmem:v57+s14+$0x0] =	vst.idx.msk $0xffff, v43;
	v57 =	vor.u32 v11, v24;
	v56 =	vor.u32 v3, v28;
	v45 =	vld.idx.msk [tilespmem:v48+s1+$0x0], $0xffff  }
0x7a: {  	v47 =	vld.idx.msk [tilespmem:v58+s1+$0x0], $0xffff;
	[tilespmem:v59+s14+$0x0] =	vst.idx.msk $0xffff, v39;
	v39 =	vor.u32 v12, v20;
	v58 =	vor.u32 v11, v21  }
0x7b: {  	v59 =	vor.u32 v3, v27;
	[tilespmem:v51+s14+$0x0] =	vst.idx.msk $0xffff, v42;
	v42 =	vld.idx.msk [tilespmem:v62+s1+$0x0], $0xffff;
	v62 =	vor.u32 v12, v18  }
0x7c: {  	v51 =	vor.u32 v3, v25;
	[tilespmem:v61+s14+$0x0] =	vst.idx.msk $0xffff, v36;
	v36 =	vld.idx.msk [tilespmem:v63+s1+$0x0], $0xffff;
	v63 =	vor.u32 v11, v23  }
0x7d: {  	v37 =	vor.u32 v11, v19;
	v38 =	vor.u32 v12, v22;
	v35 =	vld.idx.msk [tilespmem:v54+s1+$0x0], $0xffff;
	[tilespmem:v55+s14+$0x0] =	vst.idx.msk $0xffff, v60  }
0x7e: {  	v61 =	vor.u32 v12, v17;
	v60 =	vor.u32 v3, v31;
	v43 =	vld.idx.msk [tilespmem:v56+s1+$0x0], $0xffff;
	[tilespmem:v57+s14+$0x0] =	vst.idx.msk $0xffff, v40  }
0x7f: {  	v56 =	vor.u32 v4, v26;
	v57 =	vor.u32 v3, v33;
	[tilespmem:v58+s14+$0x0] =	vst.idx.msk $0xffff, v45;
	v39 =	vld.idx.msk [tilespmem:v39+s1+$0x0], $0xffff  }
0x80: {  	[tilespmem:v59+s14+$0x0] =	vst.idx.msk $0xffff, v47;
	v58 =	vor.u32 v4, v28;
	v59 =	vor.u32 v12, v24;
	v48 =	vld.idx.msk [tilespmem:v62+s1+$0x0], $0xffff  }
0x81: {  	v62 =	vor.u32 v4, v29;
	v50 =	vld.idx.msk [tilespmem:v51+s1+$0x0], $0xffff;
	[tilespmem:v63+s14+$0x0] =	vst.idx.msk $0xffff, v42;
	v63 =	vor.u32 v12, v21  }
0x82: {  	v42 =	vor.u32 v3, v32;
	[tilespmem:v37+s14+$0x0] =	vst.idx.msk $0xffff, v36;
	v37 =	vor.u32 v13, v18;
	v36 =	vld.idx.msk [tilespmem:v38+s1+$0x0], $0xffff  }
0x83: {  	[tilespmem:v60+s14+$0x0] =	vst.idx.msk $0xffff, v35;
	v35 =	vor.u32 v4, v25;
	v60 =	vor.u32 v12, v23;
	v38 =	vld.idx.msk [tilespmem:v61+s1+$0x0], $0xffff  }
0x84: {  	[tilespmem:v57+s14+$0x0] =	vst.idx.msk $0xffff, v43;
	v40 =	vld.idx.msk [tilespmem:v56+s1+$0x0], $0xffff;
	v61 =	vor.u32 v12, v19;
	v56 =	vor.u32 v13, v20  }
0x85: {  	v57 =	vor.u32 v4, v31;
	v45 =	vld.idx.msk [tilespmem:v58+s1+$0x0], $0xffff;
	v58 =	vor.u32 v13, v22;
	[tilespmem:v59+s14+$0x0] =	vst.idx.msk $0xffff, v39  }
0x86: {  	v39 =	vld.idx.msk [tilespmem:v62+s1+$0x0], $0xffff;
	v59 =	vor.u32 v5, v26;
	v62 =	vor.u32 v4, v33;
	[tilespmem:v63+s14+$0x0] =	vst.idx.msk $0xffff, v48  }
0x87: {  	v63 =	vor.u32 v4, v27;
	[tilespmem:v42+s14+$0x0] =	vst.idx.msk $0xffff, v50;
	v42 =	vor.u32 v5, v28;
	v37 =	vld.idx.msk [tilespmem:v37+s1+$0x0], $0xffff  }
0x88: {  	v48 =	vor.u32 v5, v29;
	v35 =	vld.idx.msk [tilespmem:v35+s1+$0x0], $0xffff;
	[tilespmem:v60+s14+$0x0] =	vst.idx.msk $0xffff, v36;
	v36 =	vor.u32 v13, v21  }
0x89: {  	v53 =	vor.u32 v13, v24;
	[tilespmem:v61+s14+$0x0] =	vst.idx.msk $0xffff, v38;
	v38 =	vld.idx.msk [tilespmem:v56+s1+$0x0], $0xffff;
	v56 =	vor.u32 v13, v17  }
0x8a: {  	v50 =	vor.u32 v4, v32;
	v60 =	vor.u32 v14, v18;
	[tilespmem:v57+s14+$0x0] =	vst.idx.msk $0xffff, v40;
	v52 =	vld.idx.msk [tilespmem:v58+s1+$0x0], $0xffff  }
0x8b: {  	v61 =	vor.u32 v5, v25;
	[tilespmem:v62+s14+$0x0] =	vst.idx.msk $0xffff, v45;
	v62 =	vor.u32 v13, v23;
	v54 =	vld.idx.msk [tilespmem:v59+s1+$0x0], $0xffff  }
0x8c: {  	v55 =	vor.u32 v14, v20;
	[tilespmem:v63+s14+$0x0] =	vst.idx.msk $0xffff, v39;
	v63 =	vor.u32 v5, v31;
	v42 =	vld.idx.msk [tilespmem:v42+s1+$0x0], $0xffff  }
0x8d: {  	v57 =	vor.u32 v5, v33;
	v58 =	vor.u32 v14, v22;
	v44 =	vld.idx.msk [tilespmem:v48+s1+$0x0], $0xffff;
	[tilespmem:v36+s14+$0x0] =	vst.idx.msk $0xffff, v37  }
0x8e: {  	v46 =	vor.u32 v5, v27;
	v47 =	vor.u32 v6, v26;
	[tilespmem:v53+s14+$0x0] =	vst.idx.msk $0xffff, v38;
	v38 =	vld.idx.msk [tilespmem:v56+s1+$0x0], $0xffff  }
0x8f: {  	v41 =	vor.u32 v14, v24;
	v43 =	vor.u32 v14, v21;
	[tilespmem:v50+s14+$0x0] =	vst.idx.msk $0xffff, v35;
	v40 =	vld.idx.msk [tilespmem:v60+s1+$0x0], $0xffff  }
0x90: {  	v48 =	vor.u32 v5, v32;
	v50 =	vor.u32 v6, v28;
	v45 =	vld.idx.msk [tilespmem:v61+s1+$0x0], $0xffff;
	[tilespmem:v62+s14+$0x0] =	vst.idx.msk $0xffff, v52  }
0x91: {  	v49 =	vor.u32 v6, v29;
	v36 =	vor.u32 v14, v31;
	v39 =	vld.idx.msk [tilespmem:v55+s1+$0x0], $0xffff;
	[tilespmem:v63+s14+$0x0] =	vst.idx.msk $0xffff, v54  }
0x92: {  	s24 =	simm.s32 $0x4;
	v37 =	vor.u32 v14, v29;
	v35 =	vld.idx.msk [tilespmem:v58+s1+$0x0], $0xffff;
	[tilespmem:v57+s14+$0x0] =	vst.idx.msk $0xffff, v42;
	v42 =	vor.u32 v13, v19  }
.LBB2_3:
0x93: {  	s24 =	sadd.s32 $0x4, s24;
	[tilespmem:v46+s14+$0x0] =	vst.idx.msk $0xffff, v44;
	v44 =	vld.idx.msk [tilespmem:v47+s1+$0x0], $0xffff;
	s22 =	sadd.s32 $0x40, s22  }
0x94: {  	v47 =	vor.u32 v6, v31;
	v51 =	vor.u32 v15, v22;
	v46 =	vld [tilespmem:s22+$0xFFFFFFF0];
	p1 =	slt.u32 s24, $0x7C;
	[tilespmem:v43+s14+$0x0] =	vst.idx.msk $0xffff, v40  }
0x95: {  	v40 =	vor.u32 v8, v26;
	[tilespmem:v48+s14+$0x0] =	vst.idx.msk $0xffff, v45;
	v43 =	vld.idx.msk [tilespmem:v50+s1+$0x0], $0xffff  }
0x96: {  	v48 =	vor.u32 v6, v25;
	v50 =	vor.u32 v6, v33;
	v45 =	vld [tilespmem:s22+$0x0];
	[tilespmem:v41+s14+$0x0] =	vst.idx.msk $0xffff, v39  }
0x97: {  	v41 =	vor.u32 v8, v28;
	v39 =	vld.idx.msk [tilespmem:v49+s1+$0x0], $0xffff;
	[tilespmem:v42+s14+$0x0] =	vst.idx.msk $0xffff, v38  }
0x98: {  	v42 =	vor.u32 v16, v20;
	v38 =	vld.idx.msk [tilespmem:v34+s1+$0x0], $0xffff;
	[tilespmem:v30+s14+$0x0] =	vst.idx.msk $0xffff, v35;
	v30 =	vmov v36;
	v34 =	vmov v37  }
0x99: {  	v35 =	vor.u32 v14, v19;
	v37 =	vor.u32 v15, v18;
	[tilespmem:v47+s14+$0x0] =	vst.idx.msk $0xffff, v44;
	v36 =	vld.idx.msk [tilespmem:v51+s1+$0x0], $0xffff  }
0x9a: {  	v20 =	vor.u32 v15, v20;
	v44 =	vor.u32 v15, v17;
	v47 =	vor.u32 v15, v23;
	v40 =	vld.idx.msk [tilespmem:v40+s1+$0x0], $0xffff  }
0x9b: {  	v49 =	vor.u32 v6, v27;
	v48 =	vld.idx.msk [tilespmem:v48+s1+$0x0], $0xffff;
	[tilespmem:v50+s14+$0x0] =	vst.idx.msk $0xffff, v43;
	v43 =	vor.u32 v16, v19  }
0x9c: {  	v52 =	vor.u32 v16, v18;
	v51 =	vor.u32 v16, v17;
	v50 =	vor.u32 v6, v32;
	v41 =	vld.idx.msk [tilespmem:v41+s1+$0x0], $0xffff  }
0x9d: {  	v54 =	vor.u32 v8, v25;
	v55 =	vor.u32 v8, v33;
	v22 =	vor.u32 v16, v22;
	v17 =	vmovc v29;
	v53 =	vld [tilespmem:s22+$0x10]  }
0x9e: {  	v29 =	vor.u32 v9, v28;
	[tilespmem:v35+s14+$0x0] =	vst.idx.msk $0xffff, v38;
	v38 =	vor.u32 v16, v23;
	v23 =	vld.idx.msk [tilespmem:v37+s1+$0x0], $0xffff  }
0x9f: {  	v37 =	vor.u32 v8, v17;
	v44 =	vld.idx.msk [tilespmem:v44+s1+$0x0], $0xffff;
	[tilespmem:v47+s14+$0x0] =	vst.idx.msk $0xffff, v36;
	v36 =	vor.u32 v15, v21  }
0xa0: {  	v19 =	vor.u32 v15, v19;
	[tilespmem:v49+s14+$0x0] =	vst.idx.msk $0xffff, v39;
	v20 =	vld.idx.msk [tilespmem:v20+s1+$0x0], $0xffff;
	v39 =	vor.u32 v15, v24  }
0xa1: {  	v18 =	vmov v28;
	v21 =	vor.u32 v16, v21;
	v47 =	vld [tilespmem:s22+$0xFFFFFFE0];
	[tilespmem:v50+s14+$0x0] =	vst.idx.msk $0xffff, v48;
	v48 =	vor.u32 v16, v24  }
0xa2: {  	v35 =	vor.u32 v13, v17;
	v24 =	vor.u32 v8, v31;
	v49 =	vld.idx.msk [tilespmem:v54+s1+$0x0], $0xffff;
	[tilespmem:v55+s14+$0x0] =	vst.idx.msk $0xffff, v41  }
0xa3: {  	v50 =	vor.u32 v8, v32;
	v41 =	vor.u32 v9, v26;
	v54 =	vor.u32 v7, v25;
	v55 =	vld.idx.msk [tilespmem:v29+s1+$0x0], $0xffff  }
0xa4: {  	v56 =	vor.u32 v9, v25;
	v57 =	vor.u32 v9, v33;
	v37 =	vld.idx.msk [tilespmem:v37+s1+$0x0], $0xffff;
	[tilespmem:v36+s14+$0x0] =	vst.idx.msk $0xffff, v23  }
0xa5: {  	v23 =	vor.u32 v8, v27;
	v36 =	vor.u32 v7, v18;
	[tilespmem:v19+s14+$0x0] =	vst.idx.msk $0xffff, v44;
	v44 =	vld.idx.msk [tilespmem:v52+s1+$0x0], $0xffff  }
0xa6: {  	v58 =	vor.u32 v9, v31;
	v52 =	vor.u32 v9, v17;
	v59 =	vld.idx.msk [tilespmem:v22+s1+$0x0], $0xffff;
	[tilespmem:v39+s14+$0x0] =	vst.idx.msk $0xffff, v20  }
0xa7: {  	v29 =	vshll.u32 v47, $0x4;
	v20 =	vmov v25;
	[tilespmem:v24+s14+$0x0] =	vst.idx.msk $0xffff, v40;
	v24 =	vor.u32 v9, v32;
	v39 =	vld.idx.msk [tilespmem:v51+s1+$0x0], $0xffff  }
0xa8: {  	v28 =	vshll.u32 v53, $0x4;
	v22 =	vmov v26;
	v40 =	vor.u32 v0, v29;
	v41 =	vld.idx.msk [tilespmem:v41+s1+$0x0], $0xffff;
	[tilespmem:v50+s14+$0x0] =	vst.idx.msk $0xffff, v49  }
0xa9: {  	v19 =	vmov v27;
	v25 =	vshll.u32 v45, $0x4;
	v45 =	vor.u32 v0, v28;
	v47 =	vld.idx.msk [tilespmem:v56+s1+$0x0], $0xffff;
	[tilespmem:v57+s14+$0x0] =	vst.idx.msk $0xffff, v55  }
0xaa: {  	s23 =	sadd.s32 $0x40, s23;
	v26 =	vshll.u32 v46, $0x4;
	v46 =	vor.u32 v0, v25;
	[tilespmem:v23+s14+$0x0] =	vst.idx.msk $0xffff, v37;
	v36 =	vld.idx.msk [tilespmem:v36+s1+$0x0], $0xffff;
	v23 =	vmov v31  }
0xab: {  	v27 =	vmov s23;
	v37 =	vor.u32 v0, v26;
	v31 =	vor.u32 v7, v33;
	v49 =	vld.idx.msk [tilespmem:v52+s1+$0x0], $0xffff;
	[tilespmem:v21+s14+$0x0] =	vst.idx.msk $0xffff, v44  }
0xac: {  	v27 =	vshll.u32 v27, $0x4;
	v44 =	vor.u32 v9, v19;
	v21 =	vmov v33;
	[tilespmem:v38+s14+$0x0] =	vst.idx.msk $0xffff, v59;
	v38 =	vld.idx.msk [tilespmem:v42+s1+$0x0], $0xffff  }
0xad: {  	v27 =	vor.u32 v1, v27;
	v42 =	vor.u32 v7, v17;
	v40 =	vld.idx.msk [tilespmem:v40+s1+$0x0], $0xffff;
	[tilespmem:v43+s14+$0x0] =	vst.idx.msk $0xffff, v39  }
0xae: {  	s25 =	sadd.s32 $0x10, s23;
	v39 =	vor.u32 v0, v27;
	v43 =	vld.idx.msk [tilespmem:v45+s1+$0x0], $0xffff;
	[tilespmem:v58+s14+$0x0] =	vst.idx.msk $0xffff, v41;
	v41 =	vor.u32 v7, v22  }
0xaf: {  	v33 =	vmov s25;
	s25 =	sadd.s32 $0x30, s23;
	v45 =	vor.u32 v10, v20;
	[tilespmem:v24+s14+$0x0] =	vst.idx.msk $0xffff, v47;
	v47 =	vor.u32 v10, v18;
	v24 =	vmovc v32  }
0xb0: {  	v32 =	vshll.u32 v33, $0x4;
	v33 =	vmov s25;
	v50 =	vld.idx.msk [tilespmem:v54+s1+$0x0], $0xffff;
	v51 =	vor.u32 v7, v24;
	[tilespmem:v31+s14+$0x0] =	vst.idx.msk $0xffff, v36  }
0xb1: {  	v31 =	vor.u32 v1, v32;
	v32 =	vshll.u32 v33, $0x4;
	v36 =	vld.idx.msk [tilespmem:v37+s1+$0x0], $0xffff;
	[tilespmem:v44+s14+$0x0] =	vst.idx.msk $0xffff, v49  }
0xb2: {  	s25 =	sadd.s32 $0x20, s23;
	v37 =	vor.u32 v0, v31;
	v33 =	vor.u32 v1, v32;
	v42 =	vld.idx.msk [tilespmem:v42+s1+$0x0], $0xffff;
	[tilespmem:v48+s14+$0x0] =	vst.idx.msk $0xffff, v38  }
0xb3: {  	v32 =	vmov s25;
	v38 =	vor.u32 v2, v26;
	[tilespmem:v39+s14+$0x0] =	vst.idx.msk $0xffff, v40;
	v39 =	vor.u32 v0, v33;
	v40 =	vld.idx.msk [tilespmem:v41+s1+$0x0], $0xffff  }
0xb4: {  	v32 =	vshll.u32 v32, $0x4;
	v41 =	vor.u32 v2, v29;
	v44 =	vld.idx.msk [tilespmem:v46+s1+$0x0], $0xffff;
	v46 =	vor.u32 v7, v23  }
0xb5: {  	v49 =	vor.u32 v10, v22;
	v48 =	vor.u32 v7, v19;
	v32 =	vor.u32 v1, v32;
	v47 =	vld.idx.msk [tilespmem:v47+s1+$0x0], $0xffff  }
0xb6: {  	v53 =	vor.u32 v10, v17;
	v52 =	vor.u32 v0, v32;
	[tilespmem:v51+s14+$0x0] =	vst.idx.msk $0xffff, v50  }
0xb7: {  	[tilespmem:v37+s14+$0x0] =	vst.idx.msk $0xffff, v36;
	v36 =	vor.u32 v2, v28;
	v37 =	vld.idx.msk [tilespmem:v45+s1+$0x0], $0xffff;
	v45 =	vor.u32 v10, v21  }
0xb8: {  	v50 =	vor.u32 v2, v25;
	v38 =	vld.idx.msk [tilespmem:v38+s1+$0x0], $0xffff;
	[tilespmem:v39+s14+$0x0] =	vst.idx.msk $0xffff, v43;
	v39 =	vor.u32 v10, v24  }
0xb9: {  	v43 =	vor.u32 v2, v31;
	v41 =	vld.idx.msk [tilespmem:v41+s1+$0x0], $0xffff;
	[tilespmem:v46+s14+$0x0] =	vst.idx.msk $0xffff, v40;
	v40 =	vor.u32 v11, v20  }
0xba: {  	v46 =	vor.u32 v2, v27;
	[tilespmem:v48+s14+$0x0] =	vst.idx.msk $0xffff, v42;
	v42 =	vld.idx.msk [tilespmem:v49+s1+$0x0], $0xffff;
	v48 =	vor.u32 v11, v18  }
0xbb: {  	v51 =	vor.u32 v10, v23;
	v49 =	vor.u32 v3, v29;
	[tilespmem:v52+s14+$0x0] =	vst.idx.msk $0xffff, v44;
	v44 =	vld.idx.msk [tilespmem:v53+s1+$0x0], $0xffff  }
0xbc: {  	v52 =	vor.u32 v10, v19;
	v53 =	vor.u32 v11, v22;
	v36 =	vld.idx.msk [tilespmem:v36+s1+$0x0], $0xffff;
	[tilespmem:v45+s14+$0x0] =	vst.idx.msk $0xffff, v47  }
0xbd: {  	v47 =	vor.u32 v2, v33;
	v45 =	vld.idx.msk [tilespmem:v50+s1+$0x0], $0xffff;
	v50 =	vor.u32 v11, v17;
	[tilespmem:v39+s14+$0x0] =	vst.idx.msk $0xffff, v37  }
0xbe: {  	v37 =	vor.u32 v3, v26;
	[tilespmem:v43+s14+$0x0] =	vst.idx.msk $0xffff, v38;
	v38 =	vor.u32 v2, v32;
	v39 =	vld.idx.msk [tilespmem:v40+s1+$0x0], $0xffff  }
0xbf: {  	v40 =	vor.u32 v3, v28;
	[tilespmem:v46+s14+$0x0] =	vst.idx.msk $0xffff, v41;
	v41 =	vor.u32 v11, v24;
	v43 =	vld.idx.msk [tilespmem:v48+s1+$0x0], $0xffff  }
0xc0: {  	v48 =	vor.u32 v11, v21;
	v46 =	vld.idx.msk [tilespmem:v49+s1+$0x0], $0xffff;
	[tilespmem:v51+s14+$0x0] =	vst.idx.msk $0xffff, v42;
	v42 =	vor.u32 v12, v20  }
0xc1: {  	v49 =	vor.u32 v3, v27;
	v51 =	vor.u32 v12, v18;
	[tilespmem:v52+s14+$0x0] =	vst.idx.msk $0xffff, v44;
	v44 =	vld.idx.msk [tilespmem:v53+s1+$0x0], $0xffff  }
0xc2: {  	v52 =	vor.u32 v3, v25;
	[tilespmem:v47+s14+$0x0] =	vst.idx.msk $0xffff, v36;
	v36 =	vld.idx.msk [tilespmem:v50+s1+$0x0], $0xffff;
	v47 =	vor.u32 v11, v23  }
0xc3: {  	v37 =	vld.idx.msk [tilespmem:v37+s1+$0x0], $0xffff;
	[tilespmem:v38+s14+$0x0] =	vst.idx.msk $0xffff, v45;
	v38 =	vor.u32 v11, v19;
	v45 =	vor.u32 v12, v22  }
0xc4: {  	v53 =	vor.u32 v12, v17;
	v50 =	vor.u32 v3, v31;
	v40 =	vld.idx.msk [tilespmem:v40+s1+$0x0], $0xffff;
	[tilespmem:v41+s14+$0x0] =	vst.idx.msk $0xffff, v39  }
0xc5: {  	v39 =	vor.u32 v4, v26;
	v41 =	vor.u32 v3, v33;
	v42 =	vld.idx.msk [tilespmem:v42+s1+$0x0], $0xffff;
	[tilespmem:v48+s14+$0x0] =	vst.idx.msk $0xffff, v43  }
0xc6: {  	v43 =	vor.u32 v4, v28;
	[tilespmem:v49+s14+$0x0] =	vst.idx.msk $0xffff, v46;
	v46 =	vor.u32 v12, v24;
	v48 =	vld.idx.msk [tilespmem:v51+s1+$0x0], $0xffff  }
0xc7: {  	v49 =	vor.u32 v4, v29;
	v51 =	vld.idx.msk [tilespmem:v52+s1+$0x0], $0xffff;
	[tilespmem:v47+s14+$0x0] =	vst.idx.msk $0xffff, v44;
	v44 =	vor.u32 v12, v21  }
0xc8: {  	v47 =	vor.u32 v3, v32;
	[tilespmem:v38+s14+$0x0] =	vst.idx.msk $0xffff, v36;
	v36 =	vld.idx.msk [tilespmem:v45+s1+$0x0], $0xffff;
	v38 =	vor.u32 v13, v18  }
0xc9: {  	[tilespmem:v50+s14+$0x0] =	vst.idx.msk $0xffff, v37;
	v37 =	vor.u32 v4, v25;
	v45 =	vld.idx.msk [tilespmem:v53+s1+$0x0], $0xffff;
	v50 =	vor.u32 v12, v23  }
0xca: {  	v39 =	vld.idx.msk [tilespmem:v39+s1+$0x0], $0xffff;
	[tilespmem:v41+s14+$0x0] =	vst.idx.msk $0xffff, v40;
	v40 =	vor.u32 v12, v19;
	v41 =	vor.u32 v13, v20  }
0xcb: {  	v52 =	vor.u32 v4, v31;
	v53 =	vor.u32 v13, v22;
	v43 =	vld.idx.msk [tilespmem:v43+s1+$0x0], $0xffff;
	[tilespmem:v46+s14+$0x0] =	vst.idx.msk $0xffff, v42  }
0xcc: {  	v46 =	vor.u32 v5, v26;
	v42 =	vld.idx.msk [tilespmem:v49+s1+$0x0], $0xffff;
	v49 =	vor.u32 v4, v33;
	[tilespmem:v44+s14+$0x0] =	vst.idx.msk $0xffff, v48  }
0xcd: {  	v44 =	vor.u32 v4, v27;
	[tilespmem:v47+s14+$0x0] =	vst.idx.msk $0xffff, v51;
	v47 =	vor.u32 v5, v28;
	v38 =	vld.idx.msk [tilespmem:v38+s1+$0x0], $0xffff  }
0xce: {  	v48 =	vor.u32 v5, v29;
	v37 =	vld.idx.msk [tilespmem:v37+s1+$0x0], $0xffff;
	[tilespmem:v50+s14+$0x0] =	vst.idx.msk $0xffff, v36;
	v50 =	vor.u32 v13, v21  }
0xcf: {  	v51 =	vor.u32 v4, v32;
	[tilespmem:v40+s14+$0x0] =	vst.idx.msk $0xffff, v45;
	v41 =	vld.idx.msk [tilespmem:v41+s1+$0x0], $0xffff;
	v40 =	vor.u32 v14, v18  }
0xd0: {  	[tilespmem:v52+s14+$0x0] =	vst.idx.msk $0xffff, v39;
	v39 =	vor.u32 v5, v25;
	v52 =	vld.idx.msk [tilespmem:v53+s1+$0x0], $0xffff;
	v53 =	vor.u32 v13, v24  }
0xd1: {  	v55 =	vor.u32 v14, v20;
	v54 =	vld.idx.msk [tilespmem:v46+s1+$0x0], $0xffff;
	[tilespmem:v49+s14+$0x0] =	vst.idx.msk $0xffff, v43;
	v49 =	vor.u32 v13, v23  }
0xd2: {  	v36 =	vor.u32 v14, v31;
	[tilespmem:v44+s14+$0x0] =	vst.idx.msk $0xffff, v42;
	v42 =	vor.u32 v5, v31;
	v56 =	vld.idx.msk [tilespmem:v47+s1+$0x0], $0xffff  }
0xd3: {  	v58 =	vor.u32 v14, v22;
	v57 =	vor.u32 v5, v33;
	v44 =	vld.idx.msk [tilespmem:v48+s1+$0x0], $0xffff;
	[tilespmem:v50+s14+$0x0] =	vst.idx.msk $0xffff, v38  }
.Ltmp0:
0xd4: {  	v46 =	vor.u32 v5, v27;
	v47 =	vor.u32 v6, v26;
	[tilespmem:v51+s14+$0x0] =	vst.idx.msk $0xffff, v37;
	v40 =	vld.idx.msk [tilespmem:v40+s1+$0x0], $0xffff;
	(pc) =	sbr.rel @p1 .LBB2_3-.Ltmp0, $4  }
0xd5: {  	v43 =	vor.u32 v14, v21;
	v37 =	vor.u32 v14, v29;
	v45 =	vld.idx.msk [tilespmem:v39+s1+$0x0], $0xffff;
	[tilespmem:v53+s14+$0x0] =	vst.idx.msk $0xffff, v41  }
0xd6: {  	v48 =	vor.u32 v5, v32;
	v50 =	vor.u32 v6, v28;
	[tilespmem:v49+s14+$0x0] =	vst.idx.msk $0xffff, v52;
	v39 =	vld.idx.msk [tilespmem:v55+s1+$0x0], $0xffff  }
0xd7: {  	v41 =	vor.u32 v14, v24;
	[tilespmem:v42+s14+$0x0] =	vst.idx.msk $0xffff, v54;
	v38 =	vld.idx.msk [tilespmem:v35+s1+$0x0], $0xffff  }
0xd8: {  	v49 =	vor.u32 v6, v29;
	v42 =	vor.u32 v13, v19;
	[tilespmem:v57+s14+$0x0] =	vst.idx.msk $0xffff, v56;
	v35 =	vld.idx.msk [tilespmem:v58+s1+$0x0], $0xffff  }
0xd9: {  	_ =	sdelay $0x1  }
0xda: {  	v51 =	vor.u32 v6, v25;
	_ =	sdelay $0x1  }
0xdb: {  	v50 =	vld.idx.msk [tilespmem:v50+s1+$0x0], $0xffff;
	v52 =	vor.u32 v6, v33  }
0xdc: {  	[tilespmem:v46+s14+$0x0] =	vst.idx.msk $0xffff, v44;
	v57 =	vld.idx.msk [tilespmem:v47+s1+$0x0], $0xffff;
	v58 =	vor.u32 v6, v31;
	v59 =	vor.u32 v8, v28  }
0xdd: {  	v53 =	vor.u32 v8, v26;
	v61 =	vor.u32 v6, v27;
	[tilespmem:v48+s14+$0x0] =	vst.idx.msk $0xffff, v45;
	v60 =	vld.idx.msk [tilespmem:v49+s1+$0x0], $0xffff  }
0xde: {  	v63 =	vor.u32 v6, v32;
	v54 =	vor.u32 v8, v29;
	v62 =	vld.idx.msk [tilespmem:v51+s1+$0x0], $0xffff  }
0xdf: {  	v55 =	vor.u32 v8, v25  }
0xe0: {  	[tilespmem:v52+s14+$0x0] =	vst.idx.msk $0xffff, v50  }
0xe1: {  	v46 =	vor.u32 v8, v33;
	[tilespmem:v58+s14+$0x0] =	vst.idx.msk $0xffff, v57;
	v44 =	vld.idx.msk [tilespmem:v59+s1+$0x0], $0xffff  }
0xe2: {  	v57 =	vor.u32 v9, v28;
	v58 =	vor.u32 v8, v31;
	v47 =	vld.idx.msk [tilespmem:v53+s1+$0x0], $0xffff;
	[tilespmem:v61+s14+$0x0] =	vst.idx.msk $0xffff, v60  }
0xe3: {  	v48 =	vor.u32 v9, v26;
	v59 =	vor.u32 v8, v27;
	v49 =	vld.idx.msk [tilespmem:v54+s1+$0x0], $0xffff;
	[tilespmem:v63+s14+$0x0] =	vst.idx.msk $0xffff, v62  }
0xe4: {  	v61 =	vor.u32 v8, v32;
	v62 =	vor.u32 v9, v29;
	v60 =	vld.idx.msk [tilespmem:v55+s1+$0x0], $0xffff  }
0xe5: {  	v63 =	vor.u32 v9, v25  }
0xe6: {  	[tilespmem:v46+s14+$0x0] =	vst.idx.msk $0xffff, v44  }
0xe7: {  	v46 =	vor.u32 v9, v33;
	[tilespmem:v58+s14+$0x0] =	vst.idx.msk $0xffff, v47;
	v44 =	vld.idx.msk [tilespmem:v57+s1+$0x0], $0xffff  }
0xe8: {  	v58 =	vor.u32 v9, v31;
	v57 =	vor.u32 v7, v28;
	v48 =	vld.idx.msk [tilespmem:v48+s1+$0x0], $0xffff;
	[tilespmem:v59+s14+$0x0] =	vst.idx.msk $0xffff, v49  }
0xe9: {  	v59 =	vor.u32 v9, v27;
	v49 =	vld.idx.msk [tilespmem:v62+s1+$0x0], $0xffff;
	[tilespmem:v61+s14+$0x0] =	vst.idx.msk $0xffff, v60;
	v60 =	vor.u32 v7, v26  }
0xea: {  	v62 =	vor.u32 v7, v29;
	v61 =	vor.u32 v9, v32;
	v53 =	vld.idx.msk [tilespmem:v63+s1+$0x0], $0xffff  }
0xeb: {  	v63 =	vor.u32 v7, v25  }
0xec: {  	[tilespmem:v46+s14+$0x0] =	vst.idx.msk $0xffff, v44  }
0xed: {  	v45 =	vor.u32 v7, v33;
	[tilespmem:v58+s14+$0x0] =	vst.idx.msk $0xffff, v48;
	v44 =	vld.idx.msk [tilespmem:v57+s1+$0x0], $0xffff  }
0xee: {  	v58 =	vor.u32 v7, v31;
	v57 =	vor.u32 v10, v28;
	[tilespmem:v59+s14+$0x0] =	vst.idx.msk $0xffff, v49;
	v47 =	vld.idx.msk [tilespmem:v60+s1+$0x0], $0xffff  }
0xef: {  	v59 =	vor.u32 v7, v27;
	v49 =	vld.idx.msk [tilespmem:v62+s1+$0x0], $0xffff;
	v60 =	vor.u32 v10, v26;
	[tilespmem:v61+s14+$0x0] =	vst.idx.msk $0xffff, v53  }
0xf0: {  	v62 =	vor.u32 v10, v29;
	v61 =	vor.u32 v7, v32;
	v52 =	vld.idx.msk [tilespmem:v63+s1+$0x0], $0xffff  }
0xf1: {  	v63 =	vor.u32 v10, v25  }
0xf2: {  	[tilespmem:v45+s14+$0x0] =	vst.idx.msk $0xffff, v44  }
0xf3: {  	v45 =	vor.u32 v10, v33;
	v44 =	vld.idx.msk [tilespmem:v57+s1+$0x0], $0xffff;
	[tilespmem:v58+s14+$0x0] =	vst.idx.msk $0xffff, v47  }
0xf4: {  	[tilespmem:v59+s14+$0x0] =	vst.idx.msk $0xffff, v49;
	v58 =	vor.u32 v11, v28;
	v59 =	vor.u32 v10, v31;
	v57 =	vld.idx.msk [tilespmem:v60+s1+$0x0], $0xffff  }
0xf5: {  	v49 =	vld.idx.msk [tilespmem:v62+s1+$0x0], $0xffff;
	v60 =	vor.u32 v10, v27;
	[tilespmem:v61+s14+$0x0] =	vst.idx.msk $0xffff, v52;
	v61 =	vor.u32 v11, v26  }
0xf6: {  	v62 =	vor.u32 v10, v32;
	v52 =	vld.idx.msk [tilespmem:v63+s1+$0x0], $0xffff;
	v63 =	vor.u32 v11, v29  }
0xf7: {  	[tilespmem:v43+s14+$0x0] =	vst.idx.msk $0xffff, v40;
	v55 =	vor.u32 v11, v25  }
0xf8: {  	[tilespmem:v45+s14+$0x0] =	vst.idx.msk $0xffff, v44  }
0xf9: {  	v56 =	vor.u32 v11, v33;
	v43 =	vld.idx.msk [tilespmem:v58+s1+$0x0], $0xffff;
	[tilespmem:v59+s14+$0x0] =	vst.idx.msk $0xffff, v57  }
0xfa: {  	v46 =	vor.u32 v12, v28;
	[tilespmem:v60+s14+$0x0] =	vst.idx.msk $0xffff, v49;
	v57 =	vor.u32 v11, v31;
	v45 =	vld.idx.msk [tilespmem:v61+s1+$0x0], $0xffff  }
0xfb: {  	v58 =	vor.u32 v11, v27;
	v59 =	vor.u32 v12, v26;
	[tilespmem:v62+s14+$0x0] =	vst.idx.msk $0xffff, v52;
	v48 =	vld.idx.msk [tilespmem:v63+s1+$0x0], $0xffff  }
0xfc: {  	[tilespmem:v42+s14+$0x0] =	vst.idx.msk $0xffff, v38;
	v61 =	vor.u32 v11, v32;
	v62 =	vor.u32 v12, v29;
	v60 =	vld.idx.msk [tilespmem:v55+s1+$0x0], $0xffff  }
0xfd: {  	v34 =	vld.idx.msk [tilespmem:v34+s1+$0x0], $0xffff;
	[tilespmem:v30+s14+$0x0] =	vst.idx.msk $0xffff, v35;
	v54 =	vor.u32 v15, v22;
	v55 =	vor.u32 v14, v19  }
0xfe: {  	v63 =	vor.u32 v12, v25;
	[tilespmem:v56+s14+$0x0] =	vst.idx.msk $0xffff, v43  }
0xff: {  	v56 =	vor.u32 v15, v18;
	v44 =	vld.idx.msk [tilespmem:v46+s1+$0x0], $0xffff;
	[tilespmem:v57+s14+$0x0] =	vst.idx.msk $0xffff, v45;
	v57 =	vor.u32 v12, v33  }
0x100: {  	v47 =	vor.u32 v13, v28;
	[tilespmem:v58+s14+$0x0] =	vst.idx.msk $0xffff, v48;
	v46 =	vld.idx.msk [tilespmem:v59+s1+$0x0], $0xffff;
	v58 =	vor.u32 v12, v31  }
0x101: {  	[tilespmem:v61+s14+$0x0] =	vst.idx.msk $0xffff, v60;
	v59 =	vld.idx.msk [tilespmem:v62+s1+$0x0], $0xffff;
	v60 =	vor.u32 v12, v27;
	v61 =	vor.u32 v13, v26  }
0x102: {  	v42 =	vld.idx.msk [tilespmem:v54+s1+$0x0], $0xffff;
	[tilespmem:v55+s14+$0x0] =	vst.idx.msk $0xffff, v34;
	v55 =	vor.u32 v15, v17  }
0x103: {  	v30 =	vor.u32 v13, v29;
	v62 =	vld.idx.msk [tilespmem:v63+s1+$0x0], $0xffff;
	v63 =	vor.u32 v12, v32  }
0x104: {  	v54 =	vor.u32 v13, v25;
	v43 =	vld.idx.msk [tilespmem:v56+s1+$0x0], $0xffff;
	v56 =	vor.u32 v15, v21;
	[tilespmem:v57+s14+$0x0] =	vst.idx.msk $0xffff, v44  }
0x105: {  	v49 =	vor.u32 v15, v23;
	v18 =	vor.u32 v16, v18;
	v45 =	vld.idx.msk [tilespmem:v47+s1+$0x0], $0xffff;
	[tilespmem:v58+s14+$0x0] =	vst.idx.msk $0xffff, v46  }
0x106: {  	v57 =	vor.u32 v15, v20;
	v58 =	vor.u32 v13, v33;
	[tilespmem:v60+s14+$0x0] =	vst.idx.msk $0xffff, v59;
	v60 =	vld.idx.msk [tilespmem:v61+s1+$0x0], $0xffff  }
0x107: {  	[tilespmem:v41+s14+$0x0] =	vst.idx.msk $0xffff, v39;
	v59 =	vor.u32 v14, v28;
	v61 =	vor.u32 v13, v31;
	v53 =	vld.idx.msk [tilespmem:v55+s1+$0x0], $0xffff  }
0x108: {  	[tilespmem:v63+s14+$0x0] =	vst.idx.msk $0xffff, v62;
	v62 =	vor.u32 v14, v26;
	v30 =	vld.idx.msk [tilespmem:v30+s1+$0x0], $0xffff;
	v63 =	vor.u32 v13, v27  }
0x109: {  	v52 =	vor.u32 v13, v32;
	[tilespmem:v56+s14+$0x0] =	vst.idx.msk $0xffff, v43;
	v34 =	vld.idx.msk [tilespmem:v54+s1+$0x0], $0xffff  }
0x10a: {  	[tilespmem:v49+s14+$0x0] =	vst.idx.msk $0xffff, v42;
	v55 =	vor.u32 v14, v25;
	v54 =	vor.u32 v15, v19;
	v18 =	vld.idx.msk [tilespmem:v18+s1+$0x0], $0xffff  }
0x10b: {  	v47 =	vor.u32 v16, v21;
	v44 =	vld.idx.msk [tilespmem:v57+s1+$0x0], $0xffff;
	[tilespmem:v58+s14+$0x0] =	vst.idx.msk $0xffff, v45  }
0x10c: {  	v57 =	vor.u32 v16, v22;
	v58 =	vor.u32 v14, v33;
	v39 =	vld.idx.msk [tilespmem:v59+s1+$0x0], $0xffff;
	[tilespmem:v61+s14+$0x0] =	vst.idx.msk $0xffff, v60  }
0x10d: {  	v59 =	vor.u32 v15, v28;
	v35 =	vld.idx.msk [tilespmem:v62+s1+$0x0], $0xffff;
	[tilespmem:v63+s14+$0x0] =	vst.idx.msk $0xffff, v30  }
0x10e: {  	v60 =	vor.u32 v15, v26;
	v61 =	vor.u32 v14, v27;
	[tilespmem:v52+s14+$0x0] =	vst.idx.msk $0xffff, v34;
	v37 =	vld.idx.msk [tilespmem:v37+s1+$0x0], $0xffff  }
0x10f: {  	v46 =	vor.u32 v15, v29;
	v63 =	vor.u32 v14, v32;
	[tilespmem:v54+s14+$0x0] =	vst.idx.msk $0xffff, v53;
	v62 =	vld.idx.msk [tilespmem:v55+s1+$0x0], $0xffff  }
0x110: {  	v48 =	vor.u32 v15, v25;
	v56 =	vor.u32 v15, v24;
	[tilespmem:v47+s14+$0x0] =	vst.idx.msk $0xffff, v18  }
0x111: {  	v49 =	vor.u32 v16, v23;
	v17 =	vor.u32 v16, v17;
	v22 =	vld.idx.msk [tilespmem:v57+s1+$0x0], $0xffff;
	[tilespmem:v58+s14+$0x0] =	vst.idx.msk $0xffff, v39  }
0x112: {  	v50 =	vor.u32 v16, v20;
	v51 =	vor.u32 v15, v33;
	[tilespmem:v36+s14+$0x0] =	vst.idx.msk $0xffff, v35;
	v30 =	vld.idx.msk [tilespmem:v59+s1+$0x0], $0xffff  }
0x113: {  	v52 =	vor.u32 v15, v31;
	v53 =	vor.u32 v16, v28;
	v34 =	vld.idx.msk [tilespmem:v60+s1+$0x0], $0xffff;
	[tilespmem:v61+s14+$0x0] =	vst.idx.msk $0xffff, v37  }
0x114: {  	v54 =	vor.u32 v16, v26;
	v55 =	vor.u32 v15, v27;
	[tilespmem:v63+s14+$0x0] =	vst.idx.msk $0xffff, v62;
	v37 =	vld.idx.msk [tilespmem:v46+s1+$0x0], $0xffff  }
0x115: {  	v18 =	vor.u32 v16, v29;
	[tilespmem:v56+s14+$0x0] =	vst.idx.msk $0xffff, v44;
	v57 =	vor.u32 v15, v32;
	v56 =	vld.idx.msk [tilespmem:v48+s1+$0x0], $0xffff  }
0x116: {  	v19 =	vor.u32 v16, v19;
	v17 =	vld.idx.msk [tilespmem:v17+s1+$0x0], $0xffff;
	v58 =	vor.u32 v16, v25;
	[tilespmem:v49+s14+$0x0] =	vst.idx.msk $0xffff, v22  }
0x117: {  	v20 =	vld.idx.msk [tilespmem:v50+s1+$0x0], $0xffff;
	v59 =	vor.u32 v16, v24;
	[tilespmem:v51+s14+$0x0] =	vst.idx.msk $0xffff, v30  }
0x118: {  	v60 =	vor.u32 v16, v33;
	[tilespmem:v52+s14+$0x0] =	vst.idx.msk $0xffff, v34;
	v61 =	vld.idx.msk [tilespmem:v53+s1+$0x0], $0xffff  }
0x119: {  	v62 =	vor.u32 v16, v31;
	[tilespmem:v55+s14+$0x0] =	vst.idx.msk $0xffff, v37;
	v26 =	vld.idx.msk [tilespmem:v54+s1+$0x0], $0xffff  }
0x11a: {  	v63 =	vor.u32 v16, v27;
	[tilespmem:v57+s14+$0x0] =	vst.idx.msk $0xffff, v56;
	v18 =	vld.idx.msk [tilespmem:v18+s1+$0x0], $0xffff  }
0x11b: {  	[tilespmem:v19+s14+$0x0] =	vst.idx.msk $0xffff, v17;
	v17 =	vor.u32 v16, v32;
	v19 =	vld.idx.msk [tilespmem:v58+s1+$0x0], $0xffff  }
0x11c: {  	p1 =	sne.s32 s20, $0x1F;
	[tilespmem:v59+s14+$0x0] =	vst.idx.msk $0xffff, v20  }
.Ltmp1:
0x11d: {  	[tilespmem:v60+s14+$0x0] =	vst.idx.msk $0xffff, v61;
	(pc) =	sbr.rel @p1 .LBB2_6-.Ltmp1, $4  }
0x11e: {  	[tilespmem:v62+s14+$0x0] =	vst.idx.msk $0xffff, v26  }
0x11f: {  	s22 =	sshll.u32 s20, $0xD;
	[tilespmem:v63+s14+$0x0] =	vst.idx.msk $0xffff, v18  }
0x120: {  	s22 =	sadd.s32 s22, s7;
	[tilespmem:v17+s14+$0x0] =	vst.idx.msk $0xffff, v19  }
0x121: {  	[hbm4b:s22+s1] =	stream.linear.scatter [tilespmem:s14], [sflag:$0x3], $0x8000, $0x38;
	[tilespmem:$0x11200] =	vst v63  }
.Ltmp2:
0x122: {  	(pc) =	sbr.rel .LBB2_7-.Ltmp2, $4  }
0x123: {  	_ = 	snop  }
0x124: {  	_ =	swait.ge [sflag:s15], $0x800  }
0x125: {  	[sflag:s15] =	ssyncset.done $0x0  }
0x126: {  	[sflag:s15] =	ssyncadd.s32 $0xFFFFF800  }
.LBB2_6:
0x127: {  	s22 =	sshll.u32 s20, $0xC  }
0x128: {  	s22 =	sadd.s32 s22, s8  }
0x129: {  	s22 =	sshrl.u32 s22, $0x3  }
.Ltmp3:
0x12a: {  	s22 =	sadd.s32 s4, s22;
	(pc) =	sbr.rel @p0 .LBB2_8-.Ltmp3, $4  }
0x12b: {  	[tilespmem:s11], [sflag:$0x1] =	stream.linear.gather [hbm4b:s22+s1], $0x800, $0x38;
	[tilespmem:$0x11200] =	vst v63  }
0x12c: {  	_ =	swait.ge [sflag:s15], $0x800  }
0x12d: {  	[sflag:s15] =	ssyncset.done $0x0  }
0x12e: {  	[sflag:s15] =	ssyncadd.s32 $0xFFFFF800  }
.LBB2_7:
0x12f: {  	_ =	swait.ge [sflag:s16], $0x8000  }
0x130: {  	[sflag:s16] =	ssyncset.done $0x0  }
0x131: {  	[sflag:s16] =	ssyncadd.s32 $0xFFFF8000  }
.LBB2_8:
0x132: {  	s22 =	simm.s32 $0xA30  }
0x133: {  	v17 =	vld [tilespmem:s22+$0x0];
	_ =	sdelay $0x1  }
0x134: {  	v19 =	vld [tilespmem:s22+$0xFFFFFFE0];
	_ =	sdelay $0x1  }
0x135: {  	v20 =	vld [tilespmem:s22+$0xFFFFFFF0]  }
0x136: {  	v18 =	vshll.u32 v17, $0x4  }
0x137: {  	v23 =	vor.u32 v0, v18  }
0x138: {  	s25 =	simm.s32 $0x30;
	v17 =	vld [tilespmem:s22+$0xFFFFFFD0];
	v22 =	vshll.u32 v19, $0x4  }
0x139: {  	v21 =	vmov s25;
	v19 =	vor.u32 v0, v22  }
0x13a: {  	s26 =	simm.s32 $0x10;
	v21 =	vshll.u32 v21, $0x4;
	v20 =	vshll.u32 v20, $0x4  }
0x13b: {  	v24 =	vmov s26;
	v21 =	vor.u32 v1, v21;
	v25 =	vor.u32 v0, v20  }
0x13c: {  	s28 =	simm.s32 $0x20;
	v27 =	vor.u32 v0, v21;
	v28 =	vor.u32 v2, v18;
	v26 =	vld.idx.msk [tilespmem:v23+s1+$0x0], $0xffff;
	v23 =	vshll.u32 v24, $0x4  }
0x13d: {  	v17 =	vshll.u32 v17, $0x4;
	v24 =	vmov s28;
	v23 =	vor.u32 v1, v23  }
0x13e: {  	v29 =	vor.u32 v0, v17;
	v30 =	vld.idx.msk [tilespmem:v19+s1+$0x0], $0xffff;
	v19 =	vshll.u32 v24, $0x4;
	v31 =	vor.u32 v0, v23  }
0x13f: {  	s29 =	simm.s32 $0x0;
	v32 =	vor.u32 v2, v22;
	v24 =	vor.u32 v1, v19  }
0x140: {  	v25 =	vld.idx.msk [tilespmem:v25+s1+$0x0], $0xffff;
	v19 =	vmov s29;
	v33 =	vor.u32 v0, v24  }
0x141: {  	v34 =	vor.u32 v2, v20;
	v19 =	vshll.u32 v19, $0x4;
	[tilespmem:v27+s17+$0x0] =	vst.idx.msk $0xffff, v26  }
0x142: {  	v19 =	vor.u32 v1, v19;
	v27 =	vor.u32 v2, v21;
	v26 =	vld.idx.msk [tilespmem:v28+s1+$0x0], $0xffff  }
0x143: {  	v28 =	vld.idx.msk [tilespmem:v29+s1+$0x0], $0xffff;
	v29 =	vor.u32 v0, v19;
	[tilespmem:v31+s17+$0x0] =	vst.idx.msk $0xffff, v30;
	v30 =	vor.u32 v3, v18  }
0x144: {  	v35 =	vor.u32 v2, v23;
	v31 =	vor.u32 v2, v17;
	v32 =	vld.idx.msk [tilespmem:v32+s1+$0x0], $0xffff  }
0x145: {  	[tilespmem:v33+s17+$0x0] =	vst.idx.msk $0xffff, v25;
	v25 =	vor.u32 v3, v22  }
0x146: {  	v61 =	vor.u32 v2, v24;
	v33 =	vld.idx.msk [tilespmem:v34+s1+$0x0], $0xffff  }
0x147: {  	v36 =	vor.u32 v3, v20;
	[tilespmem:v27+s17+$0x0] =	vst.idx.msk $0xffff, v26  }
0x148: {  	[tilespmem:v29+s17+$0x0] =	vst.idx.msk $0xffff, v28;
	v27 =	vor.u32 v3, v21;
	v26 =	vld.idx.msk [tilespmem:v30+s1+$0x0], $0xffff  }
0x149: {  	v29 =	vor.u32 v2, v19;
	v28 =	vld.idx.msk [tilespmem:v31+s1+$0x0], $0xffff;
	v30 =	vor.u32 v4, v18;
	[tilespmem:v35+s17+$0x0] =	vst.idx.msk $0xffff, v32  }
0x14a: {  	v62 =	vor.u32 v3, v23;
	v31 =	vor.u32 v3, v17;
	v25 =	vld.idx.msk [tilespmem:v25+s1+$0x0], $0xffff  }
0x14b: {  	[tilespmem:v61+s17+$0x0] =	vst.idx.msk $0xffff, v33  }
0x14c: {  	v63 =	vor.u32 v4, v22;
	v40 =	vor.u32 v3, v24;
	v34 =	vld.idx.msk [tilespmem:v36+s1+$0x0], $0xffff  }
0x14d: {  	v41 =	vor.u32 v4, v20;
	[tilespmem:v27+s17+$0x0] =	vst.idx.msk $0xffff, v26  }
0x14e: {  	[tilespmem:v29+s17+$0x0] =	vst.idx.msk $0xffff, v28;
	v27 =	vor.u32 v4, v21;
	v26 =	vld.idx.msk [tilespmem:v30+s1+$0x0], $0xffff  }
0x14f: {  	v29 =	vor.u32 v3, v19;
	v28 =	vld.idx.msk [tilespmem:v31+s1+$0x0], $0xffff;
	[tilespmem:v62+s17+$0x0] =	vst.idx.msk $0xffff, v25;
	v25 =	vor.u32 v5, v18  }
0x150: {  	v30 =	vor.u32 v4, v17  }
0x151: {  	v42 =	vor.u32 v4, v23;
	v31 =	vld.idx.msk [tilespmem:v63+s1+$0x0], $0xffff;
	[tilespmem:v40+s17+$0x0] =	vst.idx.msk $0xffff, v34  }
0x152: {  	v43 =	vor.u32 v5, v22;
	v44 =	vor.u32 v4, v24;
	v34 =	vld.idx.msk [tilespmem:v41+s1+$0x0], $0xffff  }
0x153: {  	v45 =	vor.u32 v5, v20;
	[tilespmem:v27+s17+$0x0] =	vst.idx.msk $0xffff, v26  }
0x154: {  	[tilespmem:v29+s17+$0x0] =	vst.idx.msk $0xffff, v28;
	v26 =	vor.u32 v5, v21;
	v25 =	vld.idx.msk [tilespmem:v25+s1+$0x0], $0xffff  }
0x155: {  	v28 =	vor.u32 v4, v19;
	v29 =	vor.u32 v6, v18;
	v27 =	vld.idx.msk [tilespmem:v30+s1+$0x0], $0xffff  }
0x156: {  	v30 =	vor.u32 v5, v17;
	[tilespmem:v42+s17+$0x0] =	vst.idx.msk $0xffff, v31  }
0x157: {  	v46 =	vor.u32 v5, v23;
	v31 =	vld.idx.msk [tilespmem:v43+s1+$0x0], $0xffff;
	[tilespmem:v44+s17+$0x0] =	vst.idx.msk $0xffff, v34  }
0x158: {  	v48 =	vor.u32 v5, v24;
	v34 =	vld.idx.msk [tilespmem:v45+s1+$0x0], $0xffff  }
0x159: {  	[tilespmem:v26+s17+$0x0] =	vst.idx.msk $0xffff, v25;
	v25 =	vor.u32 v6, v20  }
0x15a: {  	v47 =	vor.u32 v6, v22;
	[tilespmem:v28+s17+$0x0] =	vst.idx.msk $0xffff, v27;
	v27 =	vor.u32 v6, v21;
	v26 =	vld.idx.msk [tilespmem:v29+s1+$0x0], $0xffff  }
0x15b: {  	v28 =	vld.idx.msk [tilespmem:v30+s1+$0x0], $0xffff;
	v29 =	vor.u32 v5, v19;
	v30 =	vor.u32 v8, v18  }
0x15c: {  	[tilespmem:v46+s17+$0x0] =	vst.idx.msk $0xffff, v31;
	v31 =	vor.u32 v6, v17  }
0x15d: {  	[tilespmem:v48+s17+$0x0] =	vst.idx.msk $0xffff, v34  }
0x15e: {  	v50 =	vor.u32 v6, v24;
	v25 =	vld.idx.msk [tilespmem:v25+s1+$0x0], $0xffff  }
0x15f: {  	v51 =	vor.u32 v6, v23;
	v32 =	vld.idx.msk [tilespmem:v47+s1+$0x0], $0xffff;
	[tilespmem:v27+s17+$0x0] =	vst.idx.msk $0xffff, v26;
	v26 =	vor.u32 v8, v20  }
0x160: {  	[tilespmem:v29+s17+$0x0] =	vst.idx.msk $0xffff, v28;
	v27 =	vor.u32 v8, v22;
	v28 =	vld.idx.msk [tilespmem:v30+s1+$0x0], $0xffff  }
0x161: {  	s22 =	simm.s32 $0xA70;
	v30 =	vld.idx.msk [tilespmem:v31+s1+$0x0], $0xffff;
	v31 =	vor.u32 v6, v19  }
0x162: {  	v58 =	vor.u32 v7, v21;
	v38 =	vld [tilespmem:s22+$0x0];
	v39 =	vor.u32 v8, v17  }
0x163: {  	v37 =	vor.u32 v9, v18;
	v40 =	vld [tilespmem:s22+$0xFFFFFFD0];
	v29 =	vor.u32 v8, v21;
	[tilespmem:v50+s17+$0x0] =	vst.idx.msk $0xffff, v25  }
0x164: {  	v54 =	vor.u32 v9, v20;
	[tilespmem:v51+s17+$0x0] =	vst.idx.msk $0xffff, v32;
	v25 =	vld.idx.msk [tilespmem:v26+s1+$0x0], $0xffff;
	v26 =	vor.u32 v8, v24  }
0x165: {  	v55 =	vor.u32 v7, v20;
	v53 =	vor.u32 v8, v23;
	v56 =	vor.u32 v9, v24;
	v27 =	vld.idx.msk [tilespmem:v27+s1+$0x0], $0xffff  }
0x166: {  	v49 =	vld [tilespmem:s22+$0xFFFFFFE0];
	v60 =	vor.u32 v7, v24;
	[tilespmem:v31+s17+$0x0] =	vst.idx.msk $0xffff, v30;
	v31 =	vor.u32 v9, v22  }
0x167: {  	v62 =	vor.u32 v9, v19;
	v41 =	vor.u32 v9, v21;
	v42 =	vor.u32 v8, v19;
	v39 =	vld.idx.msk [tilespmem:v39+s1+$0x0], $0xffff  }
0x168: {  	v52 =	vld [tilespmem:s22+$0xFFFFFFF0];
	v43 =	vor.u32 v7, v18;
	v44 =	vor.u32 v9, v17;
	[tilespmem:v29+s17+$0x0] =	vst.idx.msk $0xffff, v28;
	v29 =	vshll.u32 v40, $0x4  }
0x169: {  	s30 =	simm.s32 $0x70;
	v46 =	vor.u32 v9, v23;
	v37 =	vld.idx.msk [tilespmem:v37+s1+$0x0], $0xffff;
	v45 =	vor.u32 v0, v29;
	[tilespmem:v26+s17+$0x0] =	vst.idx.msk $0xffff, v25  }
0x16a: {  	s23 =	simm.s32 $0x40;
	v59 =	vmov s30;
	v34 =	vor.u32 v14, v17;
	v28 =	vshll.u32 v38, $0x4;
	[tilespmem:v53+s17+$0x0] =	vst.idx.msk $0xffff, v27;
	v35 =	vld.idx.msk [tilespmem:v54+s1+$0x0], $0xffff  }
0x16b: {  	v47 =	vor.u32 v7, v22;
	v38 =	vor.u32 v0, v28;
	v27 =	vmov s23;
	v31 =	vld.idx.msk [tilespmem:v31+s1+$0x0], $0xffff  }
0x16c: {  	v32 =	vshll.u32 v59, $0x4;
	v26 =	vshll.u32 v49, $0x4;
	v27 =	vshll.u32 v27, $0x4;
	[tilespmem:v42+s17+$0x0] =	vst.idx.msk $0xffff, v39  }
0x16d: {  	v25 =	vshll.u32 v52, $0x4;
	v61 =	vor.u32 v0, v26;
	v27 =	vor.u32 v1, v27;
	v39 =	vld.idx.msk [tilespmem:v44+s1+$0x0], $0xffff  }
0x16e: {  	s24 =	simm.s32 $0x50;
	[tilespmem:v41+s17+$0x0] =	vst.idx.msk $0xffff, v37;
	v42 =	vor.u32 v0, v25;
	v63 =	vld.idx.msk [tilespmem:v45+s1+$0x0], $0xffff;
	v53 =	vor.u32 v0, v27  }
0x16f: {  	v48 =	vmov s24;
	v59 =	vor.u32 v7, v23;
	v33 =	vor.u32 v1, v32;
	v57 =	vld.idx.msk [tilespmem:v43+s1+$0x0], $0xffff;
	[tilespmem:v56+s17+$0x0] =	vst.idx.msk $0xffff, v35  }
0x170: {  	v52 =	vor.u32 v7, v17;
	v38 =	vld.idx.msk [tilespmem:v38+s1+$0x0], $0xffff;
	[tilespmem:v46+s17+$0x0] =	vst.idx.msk $0xffff, v31;
	v31 =	vshll.u32 v48, $0x4  }
0x171: {  	v50 =	vor.u32 v10, v22;
	v54 =	vor.u32 v10, v18;
	v40 =	vld.idx.msk [tilespmem:v55+s1+$0x0], $0xffff;
	v31 =	vor.u32 v1, v31  }
0x172: {  	s31 =	simm.s32 $0x60;
	v35 =	vor.u32 v10, v20;
	v61 =	vld.idx.msk [tilespmem:v61+s1+$0x0], $0xffff;
	[tilespmem:v62+s17+$0x0] =	vst.idx.msk $0xffff, v39;
	v62 =	vor.u32 v0, v31  }
0x173: {  	v56 =	vor.u32 v0, v33;
	v55 =	vmov s31;
	v42 =	vld.idx.msk [tilespmem:v42+s1+$0x0], $0xffff;
	[tilespmem:v53+s17+$0x0] =	vst.idx.msk $0xffff, v63;
	v63 =	vor.u32 v2, v26  }
0x174: {  	[tilespmem:v58+s17+$0x0] =	vst.idx.msk $0xffff, v57;
	v57 =	vld.idx.msk [tilespmem:v47+s1+$0x0], $0xffff;
	v58 =	vor.u32 v2, v29;
	v32 =	vshll.u32 v55, $0x4  }
0x175: {  	v30 =	vor.u32 v14, v23;
	v49 =	vor.u32 v7, v19;
	v39 =	vld.idx.msk [tilespmem:v52+s1+$0x0], $0xffff;
	v32 =	vor.u32 v1, v32  }
0x176: {  	v46 =	vld.idx.msk [tilespmem:v54+s1+$0x0], $0xffff;
	v52 =	vor.u32 v10, v17;
	v51 =	vor.u32 v0, v32;
	[tilespmem:v60+s17+$0x0] =	vst.idx.msk $0xffff, v40  }
0x177: {  	v60 =	vor.u32 v2, v28;
	[tilespmem:v62+s17+$0x0] =	vst.idx.msk $0xffff, v61;
	v35 =	vld.idx.msk [tilespmem:v35+s1+$0x0], $0xffff;
	v61 =	vor.u32 v10, v21  }
0x178: {  	[tilespmem:v56+s17+$0x0] =	vst.idx.msk $0xffff, v38;
	v38 =	vor.u32 v10, v24;
	v40 =	vld.idx.msk [tilespmem:v63+s1+$0x0], $0xffff;
	v63 =	vor.u32 v2, v25  }
0x179: {  	v45 =	vor.u32 v2, v31;
	v56 =	vor.u32 v11, v20;
	v43 =	vld.idx.msk [tilespmem:v58+s1+$0x0], $0xffff;
	[tilespmem:v59+s17+$0x0] =	vst.idx.msk $0xffff, v57  }
0x17a: {  	v48 =	vor.u32 v11, v18;
	v57 =	vor.u32 v2, v27;
	[tilespmem:v49+s17+$0x0] =	vst.idx.msk $0xffff, v39;
	v39 =	vld.idx.msk [tilespmem:v50+s1+$0x0], $0xffff  }
0x17b: {  	v58 =	vor.u32 v3, v29;
	v59 =	vor.u32 v10, v23;
	[tilespmem:v51+s17+$0x0] =	vst.idx.msk $0xffff, v42;
	v42 =	vld.idx.msk [tilespmem:v52+s1+$0x0], $0xffff  }
0x17c: {  	v62 =	vor.u32 v11, v22;
	v51 =	vor.u32 v10, v19;
	v36 =	vld.idx.msk [tilespmem:v60+s1+$0x0], $0xffff;
	[tilespmem:v61+s17+$0x0] =	vst.idx.msk $0xffff, v46  }
0x17d: {  	v61 =	vor.u32 v2, v33;
	[tilespmem:v38+s17+$0x0] =	vst.idx.msk $0xffff, v35;
	v60 =	vld.idx.msk [tilespmem:v63+s1+$0x0], $0xffff;
	v63 =	vor.u32 v11, v17  }
0x17e: {  	v54 =	vor.u32 v3, v26;
	v55 =	vor.u32 v2, v32;
	[tilespmem:v45+s17+$0x0] =	vst.idx.msk $0xffff, v40;
	v40 =	vld.idx.msk [tilespmem:v56+s1+$0x0], $0xffff  }
0x17f: {  	[tilespmem:v57+s17+$0x0] =	vst.idx.msk $0xffff, v43;
	v57 =	vor.u32 v11, v24;
	v56 =	vor.u32 v3, v28;
	v45 =	vld.idx.msk [tilespmem:v48+s1+$0x0], $0xffff  }
0x180: {  	v47 =	vld.idx.msk [tilespmem:v58+s1+$0x0], $0xffff;
	[tilespmem:v59+s17+$0x0] =	vst.idx.msk $0xffff, v39;
	v39 =	vor.u32 v12, v20;
	v58 =	vor.u32 v11, v21  }
0x181: {  	v59 =	vor.u32 v3, v27;
	[tilespmem:v51+s17+$0x0] =	vst.idx.msk $0xffff, v42;
	v42 =	vld.idx.msk [tilespmem:v62+s1+$0x0], $0xffff;
	v62 =	vor.u32 v12, v18  }
0x182: {  	v51 =	vor.u32 v3, v25;
	[tilespmem:v61+s17+$0x0] =	vst.idx.msk $0xffff, v36;
	v36 =	vld.idx.msk [tilespmem:v63+s1+$0x0], $0xffff;
	v63 =	vor.u32 v11, v23  }
0x183: {  	v37 =	vor.u32 v11, v19;
	v38 =	vor.u32 v12, v22;
	v35 =	vld.idx.msk [tilespmem:v54+s1+$0x0], $0xffff;
	[tilespmem:v55+s17+$0x0] =	vst.idx.msk $0xffff, v60  }
0x184: {  	v61 =	vor.u32 v12, v17;
	v60 =	vor.u32 v3, v31;
	v43 =	vld.idx.msk [tilespmem:v56+s1+$0x0], $0xffff;
	[tilespmem:v57+s17+$0x0] =	vst.idx.msk $0xffff, v40  }
0x185: {  	v56 =	vor.u32 v4, v26;
	v57 =	vor.u32 v3, v33;
	[tilespmem:v58+s17+$0x0] =	vst.idx.msk $0xffff, v45;
	v39 =	vld.idx.msk [tilespmem:v39+s1+$0x0], $0xffff  }
0x186: {  	[tilespmem:v59+s17+$0x0] =	vst.idx.msk $0xffff, v47;
	v58 =	vor.u32 v4, v28;
	v59 =	vor.u32 v12, v24;
	v48 =	vld.idx.msk [tilespmem:v62+s1+$0x0], $0xffff  }
0x187: {  	v62 =	vor.u32 v4, v29;
	v50 =	vld.idx.msk [tilespmem:v51+s1+$0x0], $0xffff;
	[tilespmem:v63+s17+$0x0] =	vst.idx.msk $0xffff, v42;
	v63 =	vor.u32 v12, v21  }
0x188: {  	v42 =	vor.u32 v3, v32;
	[tilespmem:v37+s17+$0x0] =	vst.idx.msk $0xffff, v36;
	v37 =	vor.u32 v13, v18;
	v36 =	vld.idx.msk [tilespmem:v38+s1+$0x0], $0xffff  }
0x189: {  	[tilespmem:v60+s17+$0x0] =	vst.idx.msk $0xffff, v35;
	v35 =	vor.u32 v4, v25;
	v60 =	vor.u32 v12, v23;
	v38 =	vld.idx.msk [tilespmem:v61+s1+$0x0], $0xffff  }
0x18a: {  	[tilespmem:v57+s17+$0x0] =	vst.idx.msk $0xffff, v43;
	v40 =	vld.idx.msk [tilespmem:v56+s1+$0x0], $0xffff;
	v61 =	vor.u32 v12, v19;
	v56 =	vor.u32 v13, v20  }
0x18b: {  	v57 =	vor.u32 v4, v31;
	v45 =	vld.idx.msk [tilespmem:v58+s1+$0x0], $0xffff;
	v58 =	vor.u32 v13, v22;
	[tilespmem:v59+s17+$0x0] =	vst.idx.msk $0xffff, v39  }
0x18c: {  	v39 =	vld.idx.msk [tilespmem:v62+s1+$0x0], $0xffff;
	v59 =	vor.u32 v5, v26;
	v62 =	vor.u32 v4, v33;
	[tilespmem:v63+s17+$0x0] =	vst.idx.msk $0xffff, v48  }
0x18d: {  	v63 =	vor.u32 v4, v27;
	[tilespmem:v42+s17+$0x0] =	vst.idx.msk $0xffff, v50;
	v42 =	vor.u32 v5, v28;
	v37 =	vld.idx.msk [tilespmem:v37+s1+$0x0], $0xffff  }
0x18e: {  	v48 =	vor.u32 v5, v29;
	v35 =	vld.idx.msk [tilespmem:v35+s1+$0x0], $0xffff;
	[tilespmem:v60+s17+$0x0] =	vst.idx.msk $0xffff, v36;
	v36 =	vor.u32 v13, v21  }
0x18f: {  	v53 =	vor.u32 v13, v24;
	[tilespmem:v61+s17+$0x0] =	vst.idx.msk $0xffff, v38;
	v38 =	vld.idx.msk [tilespmem:v56+s1+$0x0], $0xffff;
	v56 =	vor.u32 v13, v17  }
0x190: {  	v50 =	vor.u32 v4, v32;
	v60 =	vor.u32 v14, v18;
	[tilespmem:v57+s17+$0x0] =	vst.idx.msk $0xffff, v40;
	v52 =	vld.idx.msk [tilespmem:v58+s1+$0x0], $0xffff  }
0x191: {  	v61 =	vor.u32 v5, v25;
	[tilespmem:v62+s17+$0x0] =	vst.idx.msk $0xffff, v45;
	v62 =	vor.u32 v13, v23;
	v54 =	vld.idx.msk [tilespmem:v59+s1+$0x0], $0xffff  }
0x192: {  	v55 =	vor.u32 v14, v20;
	[tilespmem:v63+s17+$0x0] =	vst.idx.msk $0xffff, v39;
	v63 =	vor.u32 v5, v31;
	v42 =	vld.idx.msk [tilespmem:v42+s1+$0x0], $0xffff  }
0x193: {  	v57 =	vor.u32 v5, v33;
	v58 =	vor.u32 v14, v22;
	v44 =	vld.idx.msk [tilespmem:v48+s1+$0x0], $0xffff;
	[tilespmem:v36+s17+$0x0] =	vst.idx.msk $0xffff, v37  }
0x194: {  	v46 =	vor.u32 v5, v27;
	v47 =	vor.u32 v6, v26;
	[tilespmem:v53+s17+$0x0] =	vst.idx.msk $0xffff, v38;
	v38 =	vld.idx.msk [tilespmem:v56+s1+$0x0], $0xffff  }
0x195: {  	v41 =	vor.u32 v14, v24;
	v43 =	vor.u32 v14, v21;
	[tilespmem:v50+s17+$0x0] =	vst.idx.msk $0xffff, v35;
	v40 =	vld.idx.msk [tilespmem:v60+s1+$0x0], $0xffff  }
0x196: {  	v48 =	vor.u32 v5, v32;
	v50 =	vor.u32 v6, v28;
	v45 =	vld.idx.msk [tilespmem:v61+s1+$0x0], $0xffff;
	[tilespmem:v62+s17+$0x0] =	vst.idx.msk $0xffff, v52  }
0x197: {  	v49 =	vor.u32 v6, v29;
	v36 =	vor.u32 v14, v31;
	v39 =	vld.idx.msk [tilespmem:v55+s1+$0x0], $0xffff;
	[tilespmem:v63+s17+$0x0] =	vst.idx.msk $0xffff, v54  }
0x198: {  	s24 =	simm.s32 $0x4;
	v37 =	vor.u32 v14, v29;
	v35 =	vld.idx.msk [tilespmem:v58+s1+$0x0], $0xffff;
	[tilespmem:v57+s17+$0x0] =	vst.idx.msk $0xffff, v42;
	v42 =	vor.u32 v13, v19  }
.LBB2_9:
0x199: {  	s24 =	sadd.s32 $0x4, s24;
	[tilespmem:v46+s17+$0x0] =	vst.idx.msk $0xffff, v44;
	v44 =	vld.idx.msk [tilespmem:v47+s1+$0x0], $0xffff;
	s22 =	sadd.s32 $0x40, s22  }
0x19a: {  	v47 =	vor.u32 v6, v31;
	v51 =	vor.u32 v15, v22;
	v46 =	vld [tilespmem:s22+$0xFFFFFFE0];
	p0 =	slt.u32 s24, $0x7C;
	[tilespmem:v43+s17+$0x0] =	vst.idx.msk $0xffff, v40  }
0x19b: {  	v40 =	vor.u32 v8, v26;
	[tilespmem:v48+s17+$0x0] =	vst.idx.msk $0xffff, v45;
	v43 =	vld.idx.msk [tilespmem:v50+s1+$0x0], $0xffff  }
0x19c: {  	v48 =	vor.u32 v6, v25;
	v50 =	vor.u32 v6, v33;
	v45 =	vld [tilespmem:s22+$0xFFFFFFF0];
	[tilespmem:v41+s17+$0x0] =	vst.idx.msk $0xffff, v39  }
0x19d: {  	v41 =	vor.u32 v8, v28;
	v39 =	vld.idx.msk [tilespmem:v49+s1+$0x0], $0xffff;
	[tilespmem:v42+s17+$0x0] =	vst.idx.msk $0xffff, v38  }
0x19e: {  	v42 =	vor.u32 v16, v20;
	v38 =	vld.idx.msk [tilespmem:v34+s1+$0x0], $0xffff;
	[tilespmem:v30+s17+$0x0] =	vst.idx.msk $0xffff, v35;
	v30 =	vmov v36;
	v34 =	vmov v37  }
0x19f: {  	v35 =	vor.u32 v14, v19;
	v37 =	vor.u32 v15, v18;
	[tilespmem:v47+s17+$0x0] =	vst.idx.msk $0xffff, v44;
	v36 =	vld.idx.msk [tilespmem:v51+s1+$0x0], $0xffff  }
0x1a0: {  	v20 =	vor.u32 v15, v20;
	v44 =	vor.u32 v15, v17;
	v47 =	vor.u32 v15, v23;
	v40 =	vld.idx.msk [tilespmem:v40+s1+$0x0], $0xffff  }
0x1a1: {  	v49 =	vor.u32 v6, v27;
	v48 =	vld.idx.msk [tilespmem:v48+s1+$0x0], $0xffff;
	[tilespmem:v50+s17+$0x0] =	vst.idx.msk $0xffff, v43;
	v43 =	vor.u32 v16, v19  }
0x1a2: {  	v52 =	vor.u32 v16, v18;
	v51 =	vor.u32 v16, v17;
	v50 =	vor.u32 v6, v32;
	v41 =	vld.idx.msk [tilespmem:v41+s1+$0x0], $0xffff  }
0x1a3: {  	v54 =	vor.u32 v8, v25;
	v55 =	vor.u32 v8, v33;
	v22 =	vor.u32 v16, v22;
	v17 =	vmovc v29;
	v53 =	vld [tilespmem:s22+$0x0]  }
0x1a4: {  	v29 =	vor.u32 v9, v28;
	[tilespmem:v35+s17+$0x0] =	vst.idx.msk $0xffff, v38;
	v38 =	vor.u32 v16, v23;
	v23 =	vld.idx.msk [tilespmem:v37+s1+$0x0], $0xffff  }
0x1a5: {  	v37 =	vor.u32 v8, v17;
	v44 =	vld.idx.msk [tilespmem:v44+s1+$0x0], $0xffff;
	[tilespmem:v47+s17+$0x0] =	vst.idx.msk $0xffff, v36;
	v36 =	vor.u32 v15, v21  }
0x1a6: {  	v19 =	vor.u32 v15, v19;
	[tilespmem:v49+s17+$0x0] =	vst.idx.msk $0xffff, v39;
	v20 =	vld.idx.msk [tilespmem:v20+s1+$0x0], $0xffff;
	v39 =	vor.u32 v15, v24  }
0x1a7: {  	v18 =	vmov v28;
	v21 =	vor.u32 v16, v21;
	v47 =	vld [tilespmem:s22+$0xFFFFFFD0];
	[tilespmem:v50+s17+$0x0] =	vst.idx.msk $0xffff, v48;
	v48 =	vor.u32 v16, v24  }
0x1a8: {  	v35 =	vor.u32 v13, v17;
	v24 =	vor.u32 v8, v31;
	v49 =	vld.idx.msk [tilespmem:v54+s1+$0x0], $0xffff;
	[tilespmem:v55+s17+$0x0] =	vst.idx.msk $0xffff, v41  }
0x1a9: {  	v50 =	vor.u32 v8, v32;
	v41 =	vor.u32 v9, v26;
	v54 =	vor.u32 v7, v25;
	v55 =	vld.idx.msk [tilespmem:v29+s1+$0x0], $0xffff  }
0x1aa: {  	v56 =	vor.u32 v9, v25;
	v57 =	vor.u32 v9, v33;
	v37 =	vld.idx.msk [tilespmem:v37+s1+$0x0], $0xffff;
	[tilespmem:v36+s17+$0x0] =	vst.idx.msk $0xffff, v23  }
0x1ab: {  	v23 =	vor.u32 v8, v27;
	v36 =	vor.u32 v7, v18;
	[tilespmem:v19+s17+$0x0] =	vst.idx.msk $0xffff, v44;
	v44 =	vld.idx.msk [tilespmem:v52+s1+$0x0], $0xffff  }
0x1ac: {  	v58 =	vor.u32 v9, v31;
	v52 =	vor.u32 v9, v17;
	v59 =	vld.idx.msk [tilespmem:v22+s1+$0x0], $0xffff;
	[tilespmem:v39+s17+$0x0] =	vst.idx.msk $0xffff, v20  }
0x1ad: {  	v29 =	vshll.u32 v47, $0x4;
	v20 =	vmov v25;
	[tilespmem:v24+s17+$0x0] =	vst.idx.msk $0xffff, v40;
	v24 =	vor.u32 v9, v32;
	v39 =	vld.idx.msk [tilespmem:v51+s1+$0x0], $0xffff  }
0x1ae: {  	v28 =	vshll.u32 v53, $0x4;
	v22 =	vmov v26;
	v40 =	vor.u32 v0, v29;
	v41 =	vld.idx.msk [tilespmem:v41+s1+$0x0], $0xffff;
	[tilespmem:v50+s17+$0x0] =	vst.idx.msk $0xffff, v49  }
0x1af: {  	v19 =	vmov v27;
	v25 =	vshll.u32 v45, $0x4;
	v45 =	vor.u32 v0, v28;
	v47 =	vld.idx.msk [tilespmem:v56+s1+$0x0], $0xffff;
	[tilespmem:v57+s17+$0x0] =	vst.idx.msk $0xffff, v55  }
0x1b0: {  	s23 =	sadd.s32 $0x40, s23;
	v26 =	vshll.u32 v46, $0x4;
	v46 =	vor.u32 v0, v25;
	[tilespmem:v23+s17+$0x0] =	vst.idx.msk $0xffff, v37;
	v36 =	vld.idx.msk [tilespmem:v36+s1+$0x0], $0xffff;
	v23 =	vmov v31  }
0x1b1: {  	v27 =	vmov s23;
	v37 =	vor.u32 v0, v26;
	v31 =	vor.u32 v7, v33;
	v49 =	vld.idx.msk [tilespmem:v52+s1+$0x0], $0xffff;
	[tilespmem:v21+s17+$0x0] =	vst.idx.msk $0xffff, v44  }
0x1b2: {  	v27 =	vshll.u32 v27, $0x4;
	v44 =	vor.u32 v9, v19;
	v21 =	vmov v33;
	[tilespmem:v38+s17+$0x0] =	vst.idx.msk $0xffff, v59;
	v38 =	vld.idx.msk [tilespmem:v42+s1+$0x0], $0xffff  }
0x1b3: {  	v27 =	vor.u32 v1, v27;
	v42 =	vor.u32 v7, v17;
	v40 =	vld.idx.msk [tilespmem:v40+s1+$0x0], $0xffff;
	[tilespmem:v43+s17+$0x0] =	vst.idx.msk $0xffff, v39  }
0x1b4: {  	s25 =	sadd.s32 $0x10, s23;
	v39 =	vor.u32 v0, v27;
	v43 =	vld.idx.msk [tilespmem:v45+s1+$0x0], $0xffff;
	[tilespmem:v58+s17+$0x0] =	vst.idx.msk $0xffff, v41;
	v41 =	vor.u32 v7, v22  }
0x1b5: {  	v33 =	vmov s25;
	s25 =	sadd.s32 $0x30, s23;
	v45 =	vor.u32 v10, v20;
	[tilespmem:v24+s17+$0x0] =	vst.idx.msk $0xffff, v47;
	v47 =	vor.u32 v10, v18;
	v24 =	vmovc v32  }
0x1b6: {  	v32 =	vshll.u32 v33, $0x4;
	v33 =	vmov s25;
	v50 =	vld.idx.msk [tilespmem:v54+s1+$0x0], $0xffff;
	v51 =	vor.u32 v7, v24;
	[tilespmem:v31+s17+$0x0] =	vst.idx.msk $0xffff, v36  }
0x1b7: {  	v31 =	vor.u32 v1, v32;
	v32 =	vshll.u32 v33, $0x4;
	v36 =	vld.idx.msk [tilespmem:v37+s1+$0x0], $0xffff;
	[tilespmem:v44+s17+$0x0] =	vst.idx.msk $0xffff, v49  }
0x1b8: {  	s25 =	sadd.s32 $0x20, s23;
	v37 =	vor.u32 v0, v31;
	v33 =	vor.u32 v1, v32;
	v42 =	vld.idx.msk [tilespmem:v42+s1+$0x0], $0xffff;
	[tilespmem:v48+s17+$0x0] =	vst.idx.msk $0xffff, v38  }
0x1b9: {  	v32 =	vmov s25;
	v38 =	vor.u32 v2, v26;
	[tilespmem:v39+s17+$0x0] =	vst.idx.msk $0xffff, v40;
	v39 =	vor.u32 v0, v33;
	v40 =	vld.idx.msk [tilespmem:v41+s1+$0x0], $0xffff  }
0x1ba: {  	v32 =	vshll.u32 v32, $0x4;
	v41 =	vor.u32 v2, v29;
	v44 =	vld.idx.msk [tilespmem:v46+s1+$0x0], $0xffff;
	v46 =	vor.u32 v7, v23  }
0x1bb: {  	v49 =	vor.u32 v10, v22;
	v48 =	vor.u32 v7, v19;
	v32 =	vor.u32 v1, v32;
	v47 =	vld.idx.msk [tilespmem:v47+s1+$0x0], $0xffff  }
0x1bc: {  	v53 =	vor.u32 v10, v17;
	v52 =	vor.u32 v0, v32;
	[tilespmem:v51+s17+$0x0] =	vst.idx.msk $0xffff, v50  }
0x1bd: {  	[tilespmem:v37+s17+$0x0] =	vst.idx.msk $0xffff, v36;
	v36 =	vor.u32 v2, v28;
	v37 =	vld.idx.msk [tilespmem:v45+s1+$0x0], $0xffff;
	v45 =	vor.u32 v10, v21  }
0x1be: {  	v50 =	vor.u32 v2, v25;
	v38 =	vld.idx.msk [tilespmem:v38+s1+$0x0], $0xffff;
	[tilespmem:v39+s17+$0x0] =	vst.idx.msk $0xffff, v43;
	v39 =	vor.u32 v10, v24  }
0x1bf: {  	v43 =	vor.u32 v2, v31;
	v41 =	vld.idx.msk [tilespmem:v41+s1+$0x0], $0xffff;
	[tilespmem:v46+s17+$0x0] =	vst.idx.msk $0xffff, v40;
	v40 =	vor.u32 v11, v20  }
0x1c0: {  	v46 =	vor.u32 v2, v27;
	[tilespmem:v48+s17+$0x0] =	vst.idx.msk $0xffff, v42;
	v42 =	vld.idx.msk [tilespmem:v49+s1+$0x0], $0xffff;
	v48 =	vor.u32 v11, v18  }
0x1c1: {  	v51 =	vor.u32 v10, v23;
	v49 =	vor.u32 v3, v29;
	[tilespmem:v52+s17+$0x0] =	vst.idx.msk $0xffff, v44;
	v44 =	vld.idx.msk [tilespmem:v53+s1+$0x0], $0xffff  }
0x1c2: {  	v52 =	vor.u32 v10, v19;
	v53 =	vor.u32 v11, v22;
	v36 =	vld.idx.msk [tilespmem:v36+s1+$0x0], $0xffff;
	[tilespmem:v45+s17+$0x0] =	vst.idx.msk $0xffff, v47  }
0x1c3: {  	v47 =	vor.u32 v2, v33;
	v45 =	vld.idx.msk [tilespmem:v50+s1+$0x0], $0xffff;
	v50 =	vor.u32 v11, v17;
	[tilespmem:v39+s17+$0x0] =	vst.idx.msk $0xffff, v37  }
0x1c4: {  	v37 =	vor.u32 v3, v26;
	[tilespmem:v43+s17+$0x0] =	vst.idx.msk $0xffff, v38;
	v38 =	vor.u32 v2, v32;
	v39 =	vld.idx.msk [tilespmem:v40+s1+$0x0], $0xffff  }
0x1c5: {  	v40 =	vor.u32 v3, v28;
	[tilespmem:v46+s17+$0x0] =	vst.idx.msk $0xffff, v41;
	v41 =	vor.u32 v11, v24;
	v43 =	vld.idx.msk [tilespmem:v48+s1+$0x0], $0xffff  }
0x1c6: {  	v48 =	vor.u32 v11, v21;
	v46 =	vld.idx.msk [tilespmem:v49+s1+$0x0], $0xffff;
	[tilespmem:v51+s17+$0x0] =	vst.idx.msk $0xffff, v42;
	v42 =	vor.u32 v12, v20  }
0x1c7: {  	v49 =	vor.u32 v3, v27;
	v51 =	vor.u32 v12, v18;
	[tilespmem:v52+s17+$0x0] =	vst.idx.msk $0xffff, v44;
	v44 =	vld.idx.msk [tilespmem:v53+s1+$0x0], $0xffff  }
0x1c8: {  	v52 =	vor.u32 v3, v25;
	[tilespmem:v47+s17+$0x0] =	vst.idx.msk $0xffff, v36;
	v36 =	vld.idx.msk [tilespmem:v50+s1+$0x0], $0xffff;
	v47 =	vor.u32 v11, v23  }
0x1c9: {  	v37 =	vld.idx.msk [tilespmem:v37+s1+$0x0], $0xffff;
	[tilespmem:v38+s17+$0x0] =	vst.idx.msk $0xffff, v45;
	v38 =	vor.u32 v11, v19;
	v45 =	vor.u32 v12, v22  }
0x1ca: {  	v53 =	vor.u32 v12, v17;
	v50 =	vor.u32 v3, v31;
	v40 =	vld.idx.msk [tilespmem:v40+s1+$0x0], $0xffff;
	[tilespmem:v41+s17+$0x0] =	vst.idx.msk $0xffff, v39  }
0x1cb: {  	v39 =	vor.u32 v4, v26;
	v41 =	vor.u32 v3, v33;
	v42 =	vld.idx.msk [tilespmem:v42+s1+$0x0], $0xffff;
	[tilespmem:v48+s17+$0x0] =	vst.idx.msk $0xffff, v43  }
0x1cc: {  	v43 =	vor.u32 v4, v28;
	[tilespmem:v49+s17+$0x0] =	vst.idx.msk $0xffff, v46;
	v46 =	vor.u32 v12, v24;
	v48 =	vld.idx.msk [tilespmem:v51+s1+$0x0], $0xffff  }
0x1cd: {  	v49 =	vor.u32 v4, v29;
	v51 =	vld.idx.msk [tilespmem:v52+s1+$0x0], $0xffff;
	[tilespmem:v47+s17+$0x0] =	vst.idx.msk $0xffff, v44;
	v44 =	vor.u32 v12, v21  }
0x1ce: {  	v47 =	vor.u32 v3, v32;
	[tilespmem:v38+s17+$0x0] =	vst.idx.msk $0xffff, v36;
	v36 =	vld.idx.msk [tilespmem:v45+s1+$0x0], $0xffff;
	v38 =	vor.u32 v13, v18  }
0x1cf: {  	[tilespmem:v50+s17+$0x0] =	vst.idx.msk $0xffff, v37;
	v37 =	vor.u32 v4, v25;
	v45 =	vld.idx.msk [tilespmem:v53+s1+$0x0], $0xffff;
	v50 =	vor.u32 v12, v23  }
0x1d0: {  	v39 =	vld.idx.msk [tilespmem:v39+s1+$0x0], $0xffff;
	[tilespmem:v41+s17+$0x0] =	vst.idx.msk $0xffff, v40;
	v40 =	vor.u32 v12, v19;
	v41 =	vor.u32 v13, v20  }
0x1d1: {  	v52 =	vor.u32 v4, v31;
	v53 =	vor.u32 v13, v22;
	v43 =	vld.idx.msk [tilespmem:v43+s1+$0x0], $0xffff;
	[tilespmem:v46+s17+$0x0] =	vst.idx.msk $0xffff, v42  }
0x1d2: {  	v46 =	vor.u32 v5, v26;
	v42 =	vld.idx.msk [tilespmem:v49+s1+$0x0], $0xffff;
	v49 =	vor.u32 v4, v33;
	[tilespmem:v44+s17+$0x0] =	vst.idx.msk $0xffff, v48  }
0x1d3: {  	v44 =	vor.u32 v4, v27;
	[tilespmem:v47+s17+$0x0] =	vst.idx.msk $0xffff, v51;
	v47 =	vor.u32 v5, v28;
	v38 =	vld.idx.msk [tilespmem:v38+s1+$0x0], $0xffff  }
0x1d4: {  	v48 =	vor.u32 v5, v29;
	v37 =	vld.idx.msk [tilespmem:v37+s1+$0x0], $0xffff;
	[tilespmem:v50+s17+$0x0] =	vst.idx.msk $0xffff, v36;
	v50 =	vor.u32 v13, v21  }
0x1d5: {  	v51 =	vor.u32 v4, v32;
	[tilespmem:v40+s17+$0x0] =	vst.idx.msk $0xffff, v45;
	v41 =	vld.idx.msk [tilespmem:v41+s1+$0x0], $0xffff;
	v40 =	vor.u32 v14, v18  }
0x1d6: {  	[tilespmem:v52+s17+$0x0] =	vst.idx.msk $0xffff, v39;
	v39 =	vor.u32 v5, v25;
	v52 =	vld.idx.msk [tilespmem:v53+s1+$0x0], $0xffff;
	v53 =	vor.u32 v13, v24  }
0x1d7: {  	v55 =	vor.u32 v14, v20;
	v54 =	vld.idx.msk [tilespmem:v46+s1+$0x0], $0xffff;
	[tilespmem:v49+s17+$0x0] =	vst.idx.msk $0xffff, v43;
	v49 =	vor.u32 v13, v23  }
0x1d8: {  	v36 =	vor.u32 v14, v31;
	[tilespmem:v44+s17+$0x0] =	vst.idx.msk $0xffff, v42;
	v42 =	vor.u32 v5, v31;
	v56 =	vld.idx.msk [tilespmem:v47+s1+$0x0], $0xffff  }
0x1d9: {  	v58 =	vor.u32 v14, v22;
	v57 =	vor.u32 v5, v33;
	v44 =	vld.idx.msk [tilespmem:v48+s1+$0x0], $0xffff;
	[tilespmem:v50+s17+$0x0] =	vst.idx.msk $0xffff, v38  }
.Ltmp4:
0x1da: {  	v46 =	vor.u32 v5, v27;
	v47 =	vor.u32 v6, v26;
	[tilespmem:v51+s17+$0x0] =	vst.idx.msk $0xffff, v37;
	v40 =	vld.idx.msk [tilespmem:v40+s1+$0x0], $0xffff;
	(pc) =	sbr.rel @p0 .LBB2_9-.Ltmp4, $4  }
0x1db: {  	v43 =	vor.u32 v14, v21;
	v37 =	vor.u32 v14, v29;
	v45 =	vld.idx.msk [tilespmem:v39+s1+$0x0], $0xffff;
	[tilespmem:v53+s17+$0x0] =	vst.idx.msk $0xffff, v41  }
0x1dc: {  	v48 =	vor.u32 v5, v32;
	v50 =	vor.u32 v6, v28;
	[tilespmem:v49+s17+$0x0] =	vst.idx.msk $0xffff, v52;
	v39 =	vld.idx.msk [tilespmem:v55+s1+$0x0], $0xffff  }
0x1dd: {  	v41 =	vor.u32 v14, v24;
	[tilespmem:v42+s17+$0x0] =	vst.idx.msk $0xffff, v54;
	v38 =	vld.idx.msk [tilespmem:v35+s1+$0x0], $0xffff  }
0x1de: {  	v49 =	vor.u32 v6, v29;
	v42 =	vor.u32 v13, v19;
	[tilespmem:v57+s17+$0x0] =	vst.idx.msk $0xffff, v56;
	v35 =	vld.idx.msk [tilespmem:v58+s1+$0x0], $0xffff  }
0x1df: {  	_ =	sdelay $0x1  }
0x1e0: {  	v51 =	vor.u32 v6, v25;
	_ =	sdelay $0x1  }
0x1e1: {  	v50 =	vld.idx.msk [tilespmem:v50+s1+$0x0], $0xffff;
	v52 =	vor.u32 v6, v33  }
0x1e2: {  	[tilespmem:v46+s17+$0x0] =	vst.idx.msk $0xffff, v44;
	v57 =	vld.idx.msk [tilespmem:v47+s1+$0x0], $0xffff;
	v58 =	vor.u32 v6, v31;
	v59 =	vor.u32 v8, v28  }
0x1e3: {  	v53 =	vor.u32 v8, v26;
	v61 =	vor.u32 v6, v27;
	[tilespmem:v48+s17+$0x0] =	vst.idx.msk $0xffff, v45;
	v60 =	vld.idx.msk [tilespmem:v49+s1+$0x0], $0xffff  }
0x1e4: {  	v63 =	vor.u32 v6, v32;
	v54 =	vor.u32 v8, v29;
	v62 =	vld.idx.msk [tilespmem:v51+s1+$0x0], $0xffff  }
0x1e5: {  	v55 =	vor.u32 v8, v25  }
0x1e6: {  	[tilespmem:v52+s17+$0x0] =	vst.idx.msk $0xffff, v50  }
0x1e7: {  	v46 =	vor.u32 v8, v33;
	[tilespmem:v58+s17+$0x0] =	vst.idx.msk $0xffff, v57;
	v44 =	vld.idx.msk [tilespmem:v59+s1+$0x0], $0xffff  }
0x1e8: {  	v57 =	vor.u32 v9, v28;
	v58 =	vor.u32 v8, v31;
	v47 =	vld.idx.msk [tilespmem:v53+s1+$0x0], $0xffff;
	[tilespmem:v61+s17+$0x0] =	vst.idx.msk $0xffff, v60  }
0x1e9: {  	v48 =	vor.u32 v9, v26;
	v59 =	vor.u32 v8, v27;
	v49 =	vld.idx.msk [tilespmem:v54+s1+$0x0], $0xffff;
	[tilespmem:v63+s17+$0x0] =	vst.idx.msk $0xffff, v62  }
0x1ea: {  	v61 =	vor.u32 v8, v32;
	v62 =	vor.u32 v9, v29;
	v60 =	vld.idx.msk [tilespmem:v55+s1+$0x0], $0xffff  }
0x1eb: {  	v63 =	vor.u32 v9, v25  }
0x1ec: {  	[tilespmem:v46+s17+$0x0] =	vst.idx.msk $0xffff, v44  }
0x1ed: {  	v46 =	vor.u32 v9, v33;
	[tilespmem:v58+s17+$0x0] =	vst.idx.msk $0xffff, v47;
	v44 =	vld.idx.msk [tilespmem:v57+s1+$0x0], $0xffff  }
0x1ee: {  	v58 =	vor.u32 v9, v31;
	v57 =	vor.u32 v7, v28;
	v48 =	vld.idx.msk [tilespmem:v48+s1+$0x0], $0xffff;
	[tilespmem:v59+s17+$0x0] =	vst.idx.msk $0xffff, v49  }
0x1ef: {  	v59 =	vor.u32 v9, v27;
	v49 =	vld.idx.msk [tilespmem:v62+s1+$0x0], $0xffff;
	[tilespmem:v61+s17+$0x0] =	vst.idx.msk $0xffff, v60;
	v60 =	vor.u32 v7, v26  }
0x1f0: {  	v62 =	vor.u32 v7, v29;
	v61 =	vor.u32 v9, v32;
	v53 =	vld.idx.msk [tilespmem:v63+s1+$0x0], $0xffff  }
0x1f1: {  	v63 =	vor.u32 v7, v25  }
0x1f2: {  	[tilespmem:v46+s17+$0x0] =	vst.idx.msk $0xffff, v44  }
0x1f3: {  	v45 =	vor.u32 v7, v33;
	[tilespmem:v58+s17+$0x0] =	vst.idx.msk $0xffff, v48;
	v44 =	vld.idx.msk [tilespmem:v57+s1+$0x0], $0xffff  }
0x1f4: {  	v58 =	vor.u32 v7, v31;
	v57 =	vor.u32 v10, v28;
	[tilespmem:v59+s17+$0x0] =	vst.idx.msk $0xffff, v49;
	v47 =	vld.idx.msk [tilespmem:v60+s1+$0x0], $0xffff  }
0x1f5: {  	v59 =	vor.u32 v7, v27;
	v49 =	vld.idx.msk [tilespmem:v62+s1+$0x0], $0xffff;
	v60 =	vor.u32 v10, v26;
	[tilespmem:v61+s17+$0x0] =	vst.idx.msk $0xffff, v53  }
0x1f6: {  	v62 =	vor.u32 v10, v29;
	v61 =	vor.u32 v7, v32;
	v52 =	vld.idx.msk [tilespmem:v63+s1+$0x0], $0xffff  }
0x1f7: {  	v63 =	vor.u32 v10, v25  }
0x1f8: {  	[tilespmem:v45+s17+$0x0] =	vst.idx.msk $0xffff, v44  }
0x1f9: {  	v45 =	vor.u32 v10, v33;
	v44 =	vld.idx.msk [tilespmem:v57+s1+$0x0], $0xffff;
	[tilespmem:v58+s17+$0x0] =	vst.idx.msk $0xffff, v47  }
0x1fa: {  	[tilespmem:v59+s17+$0x0] =	vst.idx.msk $0xffff, v49;
	v58 =	vor.u32 v11, v28;
	v59 =	vor.u32 v10, v31;
	v57 =	vld.idx.msk [tilespmem:v60+s1+$0x0], $0xffff  }
0x1fb: {  	v49 =	vld.idx.msk [tilespmem:v62+s1+$0x0], $0xffff;
	v60 =	vor.u32 v10, v27;
	[tilespmem:v61+s17+$0x0] =	vst.idx.msk $0xffff, v52;
	v61 =	vor.u32 v11, v26  }
0x1fc: {  	v62 =	vor.u32 v10, v32;
	v52 =	vld.idx.msk [tilespmem:v63+s1+$0x0], $0xffff;
	v63 =	vor.u32 v11, v29  }
0x1fd: {  	[tilespmem:v43+s17+$0x0] =	vst.idx.msk $0xffff, v40;
	v55 =	vor.u32 v11, v25  }
0x1fe: {  	[tilespmem:v45+s17+$0x0] =	vst.idx.msk $0xffff, v44  }
0x1ff: {  	v56 =	vor.u32 v11, v33;
	v43 =	vld.idx.msk [tilespmem:v58+s1+$0x0], $0xffff;
	[tilespmem:v59+s17+$0x0] =	vst.idx.msk $0xffff, v57  }
0x200: {  	v46 =	vor.u32 v12, v28;
	[tilespmem:v60+s17+$0x0] =	vst.idx.msk $0xffff, v49;
	v57 =	vor.u32 v11, v31;
	v45 =	vld.idx.msk [tilespmem:v61+s1+$0x0], $0xffff  }
0x201: {  	v58 =	vor.u32 v11, v27;
	v59 =	vor.u32 v12, v26;
	[tilespmem:v62+s17+$0x0] =	vst.idx.msk $0xffff, v52;
	v48 =	vld.idx.msk [tilespmem:v63+s1+$0x0], $0xffff  }
0x202: {  	[tilespmem:v42+s17+$0x0] =	vst.idx.msk $0xffff, v38;
	v61 =	vor.u32 v11, v32;
	v62 =	vor.u32 v12, v29;
	v60 =	vld.idx.msk [tilespmem:v55+s1+$0x0], $0xffff  }
0x203: {  	v34 =	vld.idx.msk [tilespmem:v34+s1+$0x0], $0xffff;
	[tilespmem:v30+s17+$0x0] =	vst.idx.msk $0xffff, v35;
	v54 =	vor.u32 v15, v22;
	v55 =	vor.u32 v14, v19  }
0x204: {  	v63 =	vor.u32 v12, v25;
	[tilespmem:v56+s17+$0x0] =	vst.idx.msk $0xffff, v43  }
0x205: {  	v56 =	vor.u32 v15, v18;
	v44 =	vld.idx.msk [tilespmem:v46+s1+$0x0], $0xffff;
	[tilespmem:v57+s17+$0x0] =	vst.idx.msk $0xffff, v45;
	v57 =	vor.u32 v12, v33  }
0x206: {  	v47 =	vor.u32 v13, v28;
	[tilespmem:v58+s17+$0x0] =	vst.idx.msk $0xffff, v48;
	v46 =	vld.idx.msk [tilespmem:v59+s1+$0x0], $0xffff;
	v58 =	vor.u32 v12, v31  }
0x207: {  	[tilespmem:v61+s17+$0x0] =	vst.idx.msk $0xffff, v60;
	v59 =	vld.idx.msk [tilespmem:v62+s1+$0x0], $0xffff;
	v60 =	vor.u32 v12, v27;
	v61 =	vor.u32 v13, v26  }
0x208: {  	v42 =	vld.idx.msk [tilespmem:v54+s1+$0x0], $0xffff;
	[tilespmem:v55+s17+$0x0] =	vst.idx.msk $0xffff, v34;
	v55 =	vor.u32 v15, v17  }
0x209: {  	v30 =	vor.u32 v13, v29;
	v62 =	vld.idx.msk [tilespmem:v63+s1+$0x0], $0xffff;
	v63 =	vor.u32 v12, v32  }
0x20a: {  	v54 =	vor.u32 v13, v25;
	v43 =	vld.idx.msk [tilespmem:v56+s1+$0x0], $0xffff;
	v56 =	vor.u32 v15, v21;
	[tilespmem:v57+s17+$0x0] =	vst.idx.msk $0xffff, v44  }
0x20b: {  	v49 =	vor.u32 v15, v23;
	v18 =	vor.u32 v16, v18;
	v45 =	vld.idx.msk [tilespmem:v47+s1+$0x0], $0xffff;
	[tilespmem:v58+s17+$0x0] =	vst.idx.msk $0xffff, v46  }
0x20c: {  	v57 =	vor.u32 v15, v20;
	v58 =	vor.u32 v13, v33;
	[tilespmem:v60+s17+$0x0] =	vst.idx.msk $0xffff, v59;
	v60 =	vld.idx.msk [tilespmem:v61+s1+$0x0], $0xffff  }
0x20d: {  	[tilespmem:v41+s17+$0x0] =	vst.idx.msk $0xffff, v39;
	v59 =	vor.u32 v14, v28;
	v61 =	vor.u32 v13, v31;
	v53 =	vld.idx.msk [tilespmem:v55+s1+$0x0], $0xffff  }
0x20e: {  	[tilespmem:v63+s17+$0x0] =	vst.idx.msk $0xffff, v62;
	v62 =	vor.u32 v14, v26;
	v30 =	vld.idx.msk [tilespmem:v30+s1+$0x0], $0xffff;
	v63 =	vor.u32 v13, v27  }
0x20f: {  	v52 =	vor.u32 v13, v32;
	[tilespmem:v56+s17+$0x0] =	vst.idx.msk $0xffff, v43;
	v34 =	vld.idx.msk [tilespmem:v54+s1+$0x0], $0xffff  }
0x210: {  	[tilespmem:v49+s17+$0x0] =	vst.idx.msk $0xffff, v42;
	v55 =	vor.u32 v14, v25;
	v54 =	vor.u32 v15, v19;
	v18 =	vld.idx.msk [tilespmem:v18+s1+$0x0], $0xffff  }
0x211: {  	v47 =	vor.u32 v16, v21;
	v44 =	vld.idx.msk [tilespmem:v57+s1+$0x0], $0xffff;
	[tilespmem:v58+s17+$0x0] =	vst.idx.msk $0xffff, v45  }
0x212: {  	v57 =	vor.u32 v16, v22;
	v58 =	vor.u32 v14, v33;
	v39 =	vld.idx.msk [tilespmem:v59+s1+$0x0], $0xffff;
	[tilespmem:v61+s17+$0x0] =	vst.idx.msk $0xffff, v60  }
0x213: {  	v59 =	vor.u32 v15, v28;
	v35 =	vld.idx.msk [tilespmem:v62+s1+$0x0], $0xffff;
	[tilespmem:v63+s17+$0x0] =	vst.idx.msk $0xffff, v30  }
0x214: {  	v60 =	vor.u32 v15, v26;
	v61 =	vor.u32 v14, v27;
	[tilespmem:v52+s17+$0x0] =	vst.idx.msk $0xffff, v34;
	v37 =	vld.idx.msk [tilespmem:v37+s1+$0x0], $0xffff  }
0x215: {  	v46 =	vor.u32 v15, v29;
	v63 =	vor.u32 v14, v32;
	[tilespmem:v54+s17+$0x0] =	vst.idx.msk $0xffff, v53;
	v62 =	vld.idx.msk [tilespmem:v55+s1+$0x0], $0xffff  }
0x216: {  	v48 =	vor.u32 v15, v25;
	v56 =	vor.u32 v15, v24;
	[tilespmem:v47+s17+$0x0] =	vst.idx.msk $0xffff, v18  }
0x217: {  	v49 =	vor.u32 v16, v23;
	v17 =	vor.u32 v16, v17;
	v22 =	vld.idx.msk [tilespmem:v57+s1+$0x0], $0xffff;
	[tilespmem:v58+s17+$0x0] =	vst.idx.msk $0xffff, v39  }
0x218: {  	v50 =	vor.u32 v16, v20;
	v51 =	vor.u32 v15, v33;
	[tilespmem:v36+s17+$0x0] =	vst.idx.msk $0xffff, v35;
	v30 =	vld.idx.msk [tilespmem:v59+s1+$0x0], $0xffff  }
0x219: {  	v52 =	vor.u32 v15, v31;
	v53 =	vor.u32 v16, v28;
	v34 =	vld.idx.msk [tilespmem:v60+s1+$0x0], $0xffff;
	[tilespmem:v61+s17+$0x0] =	vst.idx.msk $0xffff, v37  }
0x21a: {  	v54 =	vor.u32 v16, v26;
	v55 =	vor.u32 v15, v27;
	[tilespmem:v63+s17+$0x0] =	vst.idx.msk $0xffff, v62;
	v37 =	vld.idx.msk [tilespmem:v46+s1+$0x0], $0xffff  }
0x21b: {  	v18 =	vor.u32 v16, v29;
	[tilespmem:v56+s17+$0x0] =	vst.idx.msk $0xffff, v44;
	v57 =	vor.u32 v15, v32;
	v56 =	vld.idx.msk [tilespmem:v48+s1+$0x0], $0xffff  }
0x21c: {  	v19 =	vor.u32 v16, v19;
	v17 =	vld.idx.msk [tilespmem:v17+s1+$0x0], $0xffff;
	v58 =	vor.u32 v16, v25;
	[tilespmem:v49+s17+$0x0] =	vst.idx.msk $0xffff, v22  }
0x21d: {  	v20 =	vld.idx.msk [tilespmem:v50+s1+$0x0], $0xffff;
	v59 =	vor.u32 v16, v24;
	[tilespmem:v51+s17+$0x0] =	vst.idx.msk $0xffff, v30  }
0x21e: {  	v60 =	vor.u32 v16, v33;
	[tilespmem:v52+s17+$0x0] =	vst.idx.msk $0xffff, v34;
	v61 =	vld.idx.msk [tilespmem:v53+s1+$0x0], $0xffff  }
0x21f: {  	v62 =	vor.u32 v16, v31;
	[tilespmem:v55+s17+$0x0] =	vst.idx.msk $0xffff, v37;
	v26 =	vld.idx.msk [tilespmem:v54+s1+$0x0], $0xffff  }
0x220: {  	v63 =	vor.u32 v16, v27;
	[tilespmem:v57+s17+$0x0] =	vst.idx.msk $0xffff, v56;
	v18 =	vld.idx.msk [tilespmem:v18+s1+$0x0], $0xffff  }
0x221: {  	s20 =	sadd.s32 $0x1, s20;
	[tilespmem:v19+s17+$0x0] =	vst.idx.msk $0xffff, v17;
	v17 =	vor.u32 v16, v32;
	v19 =	vld.idx.msk [tilespmem:v58+s1+$0x0], $0xffff  }
0x222: {  	p0 =	sne.s32 s20, $0x20;
	[tilespmem:v59+s17+$0x0] =	vst.idx.msk $0xffff, v20  }
.Ltmp5:
0x223: {  	[tilespmem:v60+s17+$0x0] =	vst.idx.msk $0xffff, v61;
	(pc) =	sbr.rel @p0 .LBB2_2-.Ltmp5, $4  }
0x224: {  	[tilespmem:v62+s17+$0x0] =	vst.idx.msk $0xffff, v26  }
0x225: {  	s21 =	sshll.u32 s21, $0xC;
	[tilespmem:v63+s17+$0x0] =	vst.idx.msk $0xffff, v18  }
0x226: {  	s21 =	sadd.s32 s21, s7;
	[tilespmem:v17+s17+$0x0] =	vst.idx.msk $0xffff, v19  }
0x227: {  	[hbm4b:s21+s1] =	stream.linear.scatter [tilespmem:s17], [sflag:$0x4], $0x8000, $0x38;
	[tilespmem:$0x11200] =	vst v63  }
0x228: {  	s19 =	sadd.s32 $0x1, s19  }
0x229: {  	_ =	swait.ge [sflag:s18], $0x8000;
	p0 =	sne.s32 s19, s9  }
.Ltmp6:
0x22a: {  	[sflag:s18] =	ssyncset.done $0x0;
	(pc) =	sbr.rel @p0 .LBB2_1-.Ltmp6, $4  }
0x22b: {  	[sflag:s18] =	ssyncadd.s32 $0xFFFF8000  }
0x22c: {  	_ =	swait.ge [sflag:s16], $0x8000  }
0x22d: {  	[sflag:s16] =	ssyncset.done $0x0  }
0x22e: {  	[sflag:s16] =	ssyncadd.s32 $0xFFFF8000  }
0x22f: {  	_ =	sfence.sel $0x180000  }
0x230: {  	[bflag:$0x0] =	sbarrier.arrive $0xFFFF  }
0x231: {  	p0 =	sne.s32 s2, $0x0;
	_ =	strace $0x90000047  }
0x232: {  	s0 =	sadd.s32 @!p0 $0x100000, s0;
	[bflag:$0x2] =	sbarrier.arrive $0xFFFF  }
0x233: {  	[sflag:s0] =	ssyncadd.tile.s32 @!p0 $0x1;
	_ =	shalt  }
.Lfunc_end2:
_tile_overlayer_lowered:
.L_overlay_start_2:
0x234: {  	(tag) =	ssettag $0x2  }
0x235: {  	s0 =	rddreg [dreg:$0x0];
	s2 =	stileid.u32  }
0x236: {  	s1 =	rddreg [dreg:$0x1];
	p0 =	sne.s32 s2, $0x0  }
0x237: {  	s3 =	rddreg [dreg:$0x2];
	[bflag:$0x3] =	sbarrier.arrive $0xFFFF;
	s2 =	simm.s32 @!p0 $0x1C05  }
0x238: {  	[timem:s3], [sflag:s2] =	dma.local @!p0 [hbm:s0], s1  }
0x239: {  	s0 =	simm.s32 @!p0 $0x5  }
0x23a: {  	_ =	swait.ge @!p0 [sflag:s0], s1  }
0x23b: {  	s1 =	ssub.s32 @!p0 $0x0, s1;
	[sflag:s0] =	ssyncset.done @!p0 $0x0  }
0x23c: {  	[sflag:s0] =	ssyncadd.s32 @!p0 s1  }
0x23d: {  	[bflag:$0x3] =	sbarrier.arrive $0xFFFF  }
0x23e: {  	_ =	shalt  }

// kernel: sparse-core-data-format-call.cloned.1.call-start
scs
called_computation_lowered:
.L_overlay_start_0:
0x0: {  	s2 =	sld [smem:$0x3FD9]  }
0x1: {  	s3 =	sld [smem:$0x3FFE];
	_ =	sdelay $0x1  }
0x2: {  	s1 =	srdreg.scid  }
0x3: {  	s0 =	sand.u32 $0x1, s1  }
0x4: {  	s18 =	sshll.u32 s0, $0xA;
	s2 =	sadd.s32 s3, s2  }
0x5: {  	s2 =	sadd.s32 s2, s18  }
0x6: {  	[smem:$0x3FC6] =	sst s2  }
0x7: {  	_ = 	snop  }
0x8: {  	s2 =	sld [smem:$0x3FD0];
	(tm) =	ssettm $0x1  }
0x9: {  	s19 =	sld [smem:$0x3FFB];
	_ =	sdelay $0x3  }
0xa: {  	_ =	strace s19  }
0xb: {  	s3 =	sld [smem:$0x3FFC];
	_ =	sdelay $0x3  }
0xc: {  	_ =	strace s3  }
0xd: {  	s3 =	sld [smem:$0x3FFD];
	_ =	sdelay $0x3  }
0xe: {  	_ =	strace s3  }
0xf: {  	_ =	strace $0x8FFFFFFF  }
0x10: {  	s20 =	sld [smem:$0x3FDB];
	_ =	sdelay $0x1  }
0x11: {  	s4 =	simm.s32 $_scs_section_size  }
0x12: {  	s5 =	simm.s32 $_size__tile_overlayer_lowered;
	s6 =	simm.s32 $_tile_overlayer_lowered  }
0x13: {  	s23 =	simm.s32 $0x1BFF;
	s22 =	sshll.u32 s6, $0x1;
	s3 =	sadd.s32 s4, s20  }
0x14: {  	s7 =	simm.s32 $0x0;
	s21 =	sshll.u32 s5, $0x1;
	s5 =	sadd.s32 s22, s3  }
0x15: {  	[timem:s7], [sflag:s23] =	dma.local [hbm:s5], s21  }
0x16: {  	_ =	swait.ge [sflag:s23], s21  }
0x17: {  	s4 =	ssub.s32 $0x0, s21;
	[sflag:s23] =	ssyncset.done $0x0  }
0x18: {  	[sflag:s23] =	ssyncadd.s32 s4;
	_ =	sdelay $0x1  }
0x19: {  	s24 =	simm.s32 $0x1B8B  }
0x1a: {  	_ =	swait.ge [sflag:s24], $0x1  }
0x1b: {  	[sflag:s24] =	ssyncset.done $0x0  }
0x1c: {  	s26 =	simm.s32 $0x1B8E;
	s25 =	sld [smem:$0x3FFE];
	[sflag:s24] =	ssyncadd.s32 $0xFFFFFFFF  }
0x1d: {  	s27 =	simm.s32 $execute0_lowered;
	[smem:$0x3FD2] =	sst s26  }
0x1e: {  	s5 =	sshll.u32 s27, $0x1;
	_ =	strace $0x80000049;
	[dreg:$0x1] =	wrdreg $0xFFFFFFFF  }
0x1f: {  	s28 =	simm.s32 $_size_execute0_lowered;
	s3 =	sadd.s32 s3, s5;
	[dreg:$0x0] =	wrdreg $0x0  }
0x20: {  	s5 =	sshll.u32 s28, $0x1;
	[dreg:$0x2] =	wrdreg s3  }
0x21: {  	[dreg:$0x3] =	wrdreg s5  }
0x22: {  	[dreg:$0x4] =	wrdreg $0xC0  }
0x23: {  	_ =	task [dreg:s7], $0x5FFFF  }
0x24: {  	[dreg:$0x1] =	wrdreg $0xFFFFFFFF  }
0x25: {  	[dreg:$0x0] =	wrdreg $0x60  }
0x26: {  	[dreg:$0x2] =	wrdreg s25  }
0x27: {  	[dreg:$0x3] =	wrdreg s2  }
0x28: {  	[dreg:$0x4] =	wrdreg $0x9  }
0x29: {  	_ =	task.clear_ibuf [dreg:s7], $0x5FFFF;
	_ =	strace $0x90000049  }
0x2a: {  	s29 =	simm.s32 $0x9;
	_ =	strace $0x8000004B  }
0x2b: {  	_ =	swait.ge [sflag:s29], $0x1  }
0x2c: {  	[sflag:s29] =	ssyncadd.s32 $0xFFFFFFFF  }
0x2d: {  	_ =	strace $0x9000004B  }
0x2e: {  	_ =	sfence  }
0x2f: {  	s30 =	sld [smem:$0x0];
	_ =	sdelay $0x2  }
0x30: {  	s31 =	sshll.u32 s1, $0xD;
	s1 =	sshrl.u32 s1, $0x2  }
0x31: {  	s3 =	sand.u32 $0x4000, s31;
	s1 =	sadd.s32 s1, s30  }
0x32: {  	s0 =	sor.u32 s3, s0;
	s1 =	sshll.u32 s1, $0x11  }
0x33: {  	s0 =	sor.u32 s1, s0  }
0x34: {  	s0 =	sadd.s32 $0x8F2B, s0  }
0x35: {  	[sflag:s0] =	ssyncadd.remote.s32 $0x1  }
0x36: {  	_ =	sfence.sel $0xFFFF  }
0x37: {  	[dreg:$0x0] =	wrdreg $0xFFFFFFFF;
	(pc) =	sbr.abs _section_cstart, $3  }
0x38: {  	[dreg:$0x1] =	wrdreg $0xFFFFFFFF  }
0x39: {  	_ =	task.clear_ibuf [dreg:s7], $0x2FFFF;
	_ =	strace $0x9FFFFFFF  }
0x3a: {  	(tm) =	ssettm $0x7FFFFFFF  }
0x3b: {  	_ =	shalt  }
tec
execute0_lowered:
.L_overlay_start_1:
0x0: {  	(tag) =	ssettag $0x1  }
0x1: {  	s13 =	rddreg [dreg:$0x0]  }
0x2: {  	s0 =	srdreg.scid;
	s2 =	rddreg [dreg:$0x1]  }
0x3: {  	s4 =	simm.s32 $0x1;
	s7 =	simm.s32 $0x2;
	s19 =	simm.s32 $0x0  }
0x4: {  	s15 =	simm.s32 $0x4000;
	s20 =	simm.s32 $0x0;
	s1 =	sshll.u32 s0, $0x4  }
0x5: {  	s16 =	simm.s32 $0x0;
	s0 =	stileid.u32;
	s1 =	sand.u32 $0x10, s1  }
0x6: {  	s18 =	simm.s32 $0x0;
	s9 =	sadd.s32 $0x18800, s13;
	s1 =	sor.u32 s0, s1  }
0x7: {  	s10 =	sadd.s32 $0x20800, s13;
	s11 =	sadd.s32 $0x28800, s13;
	s3 =	sshll.u32 s1, $0x3  }
0x8: {  	s1 =	rddreg [dreg:$0x2];
	_ =	strace $0x8000004A;
	s5 =	ssub.s32 $0x800, s3  }
0x9: {  	s12 =	sadd.s32 $0x30800, s13;
	[sflag:s4] =	ssyncpa.u1 $0x0;
	s6 =	sand.u32 $0xF8, s5  }
.Ltmp0:
0xa: {  	p0 =	sne.s32 s6, $0x0;
	s6 =	simm.s32 $0x1;
	(pc) =	sbr.rel .LBB1_1-.Ltmp0, $4  }
0xb: {  	s17 =	smov.u32 s3;
	s8 =	sshrl.u32 s5, $0x8;
	s6 =	simm.s32 @!p0 $0x0  }
0xc: {  	s5 =	sadd.s32 $0x800, s13;
	[sflag:s7] =	ssyncpa.u1 $0x0;
	s6 =	sadd.s32 s6, s8  }
0xd: {  	s7 =	sadd.s32 $0x8800, s13;
	p0 =	por $0x0, $0x0;
	s6 =	sshll.u32 s6, $0x4  }
0xe: {  	s8 =	sadd.s32 $0x10800, s13;
	s13 =	sadd.s32 $0x38800, s13;
	s14 =	sor.u32 $0x1, s6  }
.LBB1_7:
0xf: {  	s21 =	sadd.s32 $0x80, s16  }
0x10: {  	s19 =	sadd.s32 $0x100, s17;
	s23 =	smov.u32 s17;
	p2 =	sgt.s32 s21, $0x7FF  }
0x11: {  	s23 =	smov.u32 @p2 s19  }
0x12: {  	s21 =	simm.s32 @p2 $0x0;
	p2 =	sgt.s32 s23, $0x7FF  }
0x13: {  	s23 =	smov.u32 @p2 s3;
	p2 =	sne.s32 s18, s14  }
.Ltmp1:
0x14: {  	p1 =	slt.u32 s18, $0x2;
	(pc) =	sbr.rel @!p2 .LBB1_8-.Ltmp1, $4  }
0x15: {  	s22 =	simm.s32 @!p1 $0x2  }
0x16: {  	s20 =	smov.u32 s17;
	p0 =	por !p0, !p0;
	_ =	swait.ge @!p1 [sflag:s22], $0x4000  }
0x17: {  	s19 =	smov.u32 s16;
	[sflag:s22] =	ssyncset.done @!p1 $0x0;
	s16 =	smov.u32 s21  }
0x18: {  	s18 =	sadd.s32 $0x1, s18;
	[sflag:s22] =	ssyncadd.s32 @!p1 $0xFFFFC000;
	s17 =	smov.u32 s23  }
.LBB1_1:
0x19: {  	p1 =	sge.u32 s18, s6  }
0x1a: {  	s21 =	sxor.u32 @!p1 $0xFFFFFFFF, s18  }
0x1b: {  	s22 =	sshll.u32 @!p1 s17, $0xF;
	s23 =	sshll.u32 @!p1 s16, $0x4;
	s25 =	simm.s32 @!p1 $0x10  }
0x1c: {  	s21 =	sshll.u32 @!p1 s21, $0xE;
	s23 =	sand.u32 @!p1 $0x7FF0, s23;
	s24 =	sadd.s32 @!p1 s5, s22  }
0x1d: {  	s26 =	simm.s32 @!p1 $0x80;
	s21 =	sand.u32 @!p1 $0x4000, s21;
	s24 =	sadd.s32 @!p1 s23, s24  }
0x1e: {  	[tilespmem:s21], [sflag:$0x1] =	stream.strided.gather @!p1 [hbm4b:s24+s25], $0x800, s26, s25, $0x38;
	[tilespmem:$0x10100] =	vst v63  }
0x1f: {  	s24 =	sadd.s32 @!p1 s22, s7  }
0x20: {  	s27 =	sor.u32 @!p1 $0x800, s21;
	s24 =	sadd.s32 @!p1 s23, s24  }
0x21: {  	[tilespmem:s27], [sflag:$0x1] =	stream.strided.gather @!p1 [hbm4b:s24+s25], $0x800, s26, s25, $0x38;
	[tilespmem:$0x10100] =	vst v63  }
0x22: {  	s24 =	sadd.s32 @!p1 s22, s8  }
0x23: {  	s27 =	sor.u32 @!p1 $0x1000, s21;
	s24 =	sadd.s32 @!p1 s23, s24  }
0x24: {  	[tilespmem:s27], [sflag:$0x1] =	stream.strided.gather @!p1 [hbm4b:s24+s25], $0x800, s26, s25, $0x38;
	[tilespmem:$0x10100] =	vst v63  }
0x25: {  	s24 =	sadd.s32 @!p1 s22, s9  }
0x26: {  	s27 =	sor.u32 @!p1 $0x1800, s21;
	s24 =	sadd.s32 @!p1 s23, s24  }
0x27: {  	[tilespmem:s27], [sflag:$0x1] =	stream.strided.gather @!p1 [hbm4b:s24+s25], $0x800, s26, s25, $0x38;
	[tilespmem:$0x10100] =	vst v63  }
0x28: {  	s24 =	sadd.s32 @!p1 s22, s10  }
0x29: {  	s27 =	sor.u32 @!p1 $0x2000, s21;
	s24 =	sadd.s32 @!p1 s23, s24  }
0x2a: {  	[tilespmem:s27], [sflag:$0x1] =	stream.strided.gather @!p1 [hbm4b:s24+s25], $0x800, s26, s25, $0x38;
	[tilespmem:$0x10100] =	vst v63  }
0x2b: {  	s24 =	sadd.s32 @!p1 s22, s11  }
0x2c: {  	s27 =	sor.u32 @!p1 $0x2800, s21;
	s24 =	sadd.s32 @!p1 s23, s24  }
0x2d: {  	[tilespmem:s27], [sflag:$0x1] =	stream.strided.gather @!p1 [hbm4b:s24+s25], $0x800, s26, s25, $0x38;
	[tilespmem:$0x10100] =	vst v63  }
0x2e: {  	s24 =	sadd.s32 @!p1 s22, s12  }
0x2f: {  	s27 =	sor.u32 @!p1 $0x3000, s21;
	s22 =	sadd.s32 @!p1 s22, s13;
	s24 =	sadd.s32 @!p1 s23, s24  }
0x30: {  	[tilespmem:s27], [sflag:$0x1] =	stream.strided.gather @!p1 [hbm4b:s24+s25], $0x800, s26, s25, $0x38;
	[tilespmem:$0x10100] =	vst v63  }
0x31: {  	s31 =	sadd.s32 $0xFFFFFFFF, s18;
	s21 =	sor.u32 @!p1 $0x3800, s21;
	s22 =	sadd.s32 @!p1 s23, s22  }
0x32: {  	[tilespmem:s21], [sflag:$0x1] =	stream.strided.gather @!p1 [hbm4b:s22+s25], $0x800, s26, s25, $0x38;
	[tilespmem:$0x10100] =	vst v63  }
0x33: {  	p1 =	sge.u32 s31, s6  }
.Ltmp2:
0x34: {  	_ = 	snop;
	(pc) =	sbr.rel @p1 .LBB1_7-.Ltmp2, $1  }
0x35: {  	_ =	sdelay $0x3  }
0x36: {  	s21 =	simm.s32 $0x1;
	s23 =	sand.u32 $0x1, s18  }
0x37: {  	_ =	swait.ge [sflag:s4], $0x4000;
	s21 =	simm.s32 @!p0 $0x0;
	s24 =	smul.u32 $0x10200, s23  }
0x38: {  	[sflag:s4] =	ssyncset.done $0x0;
	s22 =	smul.u32 $0x10200, s21  }
0x39: {  	s21 =	sshll.u32 s21, $0xE;
	[sflag:s4] =	ssyncadd.s32 $0xFFFFC000  }
0x3a: {  	s23 =	sor.u32 $0x40, s21;
	s31 =	sshrl.u32 s24, $0x2;
	s22 =	sshrl.u32 s22, $0x2  }
0x3b: {  	s24 =	simm.s32 $0x0;
	s21 =	sor.u32 $0x8000, s31;
	s22 =	sor.u32 $0x8007, s22  }
.LBB1_3:
0x3c: {  	v3 =	vld [tilespmem:s23+$0x30]  }
0x3d: {  	v4 =	vld [tilespmem:s23+$0xFFFFFFD0]  }
0x3e: {  	v5 =	vld [tilespmem:s23+$0xFFFFFFE0]  }
0x3f: {  	v1 =	vld [tilespmem:s23+$0xFFFFFFF0]  }
0x40: {  	v0 =	vld [tilespmem:s23+$0x0]  }
0x41: {  	v2 =	vld [tilespmem:s23+$0x10];
	[tilespmem:s22+$0x0 ss:$0x81] =	vst.msk $0xffff, v3  }
0x42: {  	[tilespmem:s22+$0xFFFFFFFA ss:$0x81] =	vst.msk $0xffff, v4;
	v4 =	vld [tilespmem:s23+$0x20]  }
0x43: {  	s26 =	simm.s32 $0x0;
	s27 =	sadd.s32 $0x80, s23;
	s25 =	smov.u32 s22;
	v3 =	vld [tilespmem:s23+$0xFFFFFFC0];
	[tilespmem:s22+$0xFFFFFFFB ss:$0x81] =	vst.msk $0xffff, v5  }
.LBB1_4:
0x44: {  	v5 =	vld [tilespmem:s27+$0x30];
	s26 =	sadd.s32 $0x8, s26;
	[tilespmem:s25+$0xFFFFFFFC ss:$0x81] =	vst.msk $0xffff, v1  }
0x45: {  	v6 =	vld [tilespmem:s27+$0xFFFFFFD0];
	p1 =	slt.u32 s26, $0x78;
	[tilespmem:s25+$0xFFFFFFFD ss:$0x81] =	vst.msk $0xffff, v0  }
0x46: {  	v7 =	vld [tilespmem:s27+$0xFFFFFFE0];
	[tilespmem:s25+$0xFFFFFFFE ss:$0x81] =	vst.msk $0xffff, v2  }
.Ltmp3:
0x47: {  	v1 =	vld [tilespmem:s27+$0xFFFFFFF0];
	[tilespmem:s25+$0xFFFFFFFF ss:$0x81] =	vst.msk $0xffff, v4;
	(pc) =	sbr.rel @p1 .LBB1_4-.Ltmp3, $4  }
0x48: {  	v0 =	vld [tilespmem:s27+$0x0];
	[tilespmem:s25+$0xFFFFFFF9 ss:$0x81] =	vst.msk $0xffff, v3;
	s25 =	sadd.s32 $0x8, s25  }
0x49: {  	v2 =	vld [tilespmem:s27+$0x10];
	[tilespmem:s25+$0x0 ss:$0x81] =	vst.msk $0xffff, v5  }
0x4a: {  	[tilespmem:s25+$0xFFFFFFFA ss:$0x81] =	vst.msk $0xffff, v6;
	v4 =	vld [tilespmem:s27+$0x20]  }
0x4b: {  	v3 =	vld [tilespmem:s27+$0xFFFFFFC0];
	[tilespmem:s25+$0xFFFFFFFB ss:$0x81] =	vst.msk $0xffff, v7;
	s27 =	sadd.s32 $0x80, s27  }
0x4c: {  	s24 =	sadd.s32 $0x1, s24  }
0x4d: {  	p1 =	sne.s32 s24, $0x8  }
.Ltmp4:
0x4e: {  	[tilespmem:s25+$0xFFFFFFFC ss:$0x81] =	vst.msk $0xffff, v1;
	(pc) =	sbr.rel @p1 .LBB1_3-.Ltmp4, $4  }
0x4f: {  	[tilespmem:s25+$0xFFFFFFFD ss:$0x81] =	vst.msk $0xffff, v0  }
0x50: {  	[tilespmem:s25+$0xFFFFFFFE ss:$0x81] =	vst.msk $0xffff, v2  }
0x51: {  	[tilespmem:s25+$0xFFFFFFFF ss:$0x81] =	vst.msk $0xffff, v4  }
0x52: {  	s22 =	sadd.s32 $0x810, s22;
	s23 =	sadd.s32 $0x800, s23;
	[tilespmem:s25+$0xFFFFFFF9 ss:$0x81] =	vst.msk $0xffff, v3  }
0x53: {  	s22 =	sshll.u32 s19, $0x3;
	s23 =	sand.u32 $0x78, s19;
	s20 =	sshll.u32 s20, $0xC  }
.Ltmp5:
0x54: {  	s30 =	sand.u32 $0xF00, s19;
	s22 =	sand.u32 $0x400, s22;
	(pc) =	sbr.rel .LBB1_7-.Ltmp5, $4  }
0x55: {  	s31 =	sand.u32 $0x7, s19;
	s20 =	sadd.s32 s2, s20;
	s22 =	sor.u32 s23, s22  }
0x56: {  	s19 =	sshll.u32 s31, $0x12;
	s20 =	sadd.s32 s30, s20;
	s22 =	sshrl.u32 s22, $0x3  }
0x57: {  	s19 =	sor.u32 $0x400, s19;
	s20 =	sadd.s32 s22, s20  }
0x58: {  	[hbm4b:s20+s19] =	stream.strided.scatter [tilespmem:s21], [sflag:$0x2], $0x4000, s15, s19, $0x20;
	[tilespmem:$0x10100] =	vst v63  }
.LBB1_8:
0x59: {  	_ =	sfence.sel $0x180000  }
0x5a: {  	s2 =	simm.s32 $0x1;
	[bflag:$0x0] =	sbarrier.arrive $0xFFFF  }
0x5b: {  	s31 =	simm.s32 $0x2;
	[sflag:s2] =	ssyncpa.u1 $0x1  }
0x5c: {  	[sflag:s31] =	ssyncpa.u1 $0x1  }
0x5d: {  	p0 =	sne.s32 s0, $0x0;
	_ =	strace $0x9000004A  }
0x5e: {  	s0 =	sadd.s32 @!p0 $0x100000, s1;
	[bflag:$0x2] =	sbarrier.arrive $0xFFFF  }
0x5f: {  	[sflag:s0] =	ssyncadd.tile.s32 @!p0 $0x1;
	_ =	shalt  }
.Lfunc_end1:
_tile_overlayer_lowered:
.L_overlay_start_2:
0x60: {  	(tag) =	ssettag $0x2  }
0x61: {  	s0 =	rddreg [dreg:$0x0];
	s2 =	stileid.u32  }
0x62: {  	s1 =	rddreg [dreg:$0x1];
	p0 =	sne.s32 s2, $0x0  }
0x63: {  	s3 =	rddreg [dreg:$0x2];
	[bflag:$0x3] =	sbarrier.arrive $0xFFFF;
	s2 =	simm.s32 @!p0 $0x1C01  }
0x64: {  	[timem:s3], [sflag:s2] =	dma.local @!p0 [hbm:s0], s1  }
0x65: {  	s0 =	simm.s32 @!p0 $0x1  }
0x66: {  	_ =	swait.ge @!p0 [sflag:s0], s1  }
0x67: {  	s1 =	ssub.s32 @!p0 $0x0, s1;
	[sflag:s0] =	ssyncset.done @!p0 $0x0  }
0x68: {  	[sflag:s0] =	ssyncadd.s32 @!p0 s1  }
0x69: {  	[bflag:$0x3] =	sbarrier.arrive $0xFFFF  }
0x6a: {  	_ =	shalt  }

</sc_bundles>
